<compile_context>
chip_gen: v7x
topology: tpu7x:2x2x1
jax: 0.10.2.dev20260603
libtpu: 0.0.44.dev20260713+nightly
codegen_flags: <defaults>
</compile_context>

<pallas_src>
import functools

import jax
import jax.numpy as jnp
from jax import lax
from jax.experimental import pallas as pl
from jax.experimental.pallas import tpu as pltpu
from jax.experimental.pallas import tpu_sc as plsc

N = 10000
E = 320000
D = 128

NC = 2
NS = 16
NW = NC * NS
EDGES_PER_TILE = E // NW
CHUNK = 80
NCHUNK = EDGES_PER_TILE // CHUNK
TAIL = EDGES_PER_TILE - NCHUNK * CHUNK
ACC_ROWS = N
NBUF = 4
ROWS_MAIN = 624
ROWS_TAIL = N - NS * ROWS_MAIN

_mesh = plsc.VectorSubcoreMesh(core_axis_name="c", subcore_axis_name="s")


def _seg_body(x_hbm, src_hbm, dst_hbm, zeros_hbm, out_hbm,
              acc,
              src0, dst0, src1, dst1, src2, dst2, src3, dst3,
              r0, r1, r2, r3,
              g0, g1, g2, g3, i0, i1, i2_, i3):
    srcs = (src0, src1, src2, src3)
    dsts = (dst0, dst1, dst2, dst3)
    rows = (r0, r1, r2, r3)
    gsem = (g0, g1, g2, g3)
    isem = (i0, i1, i2_, i3)
    c = lax.axis_index("c")
    s = lax.axis_index("s")
    wid = s * NC + c
    base = wid * EDGES_PER_TILE
    row0 = s * ROWS_MAIN

    pltpu.sync_copy(zeros_hbm.at[pl.ds(0, ROWS_MAIN)], acc.at[pl.ds(row0, ROWS_MAIN)])

    @pl.when(s == 0)
    def _():
        pltpu.sync_copy(zeros_hbm.at[pl.ds(0, ROWS_TAIL)],
                        acc.at[pl.ds(NS * ROWS_MAIN, ROWS_TAIL)])

    plsc.subcore_barrier()

    def _idx_load(i, j):
        off = base + i * CHUNK
        pltpu.sync_copy(src_hbm.at[pl.ds(off, CHUNK)], srcs[j])
        pltpu.sync_copy(dst_hbm.at[pl.ds(off, CHUNK)], dsts[j])

    def _idx_load_start(i, j):
        off = base + i * CHUNK
        pltpu.async_copy(src_hbm.at[pl.ds(off, CHUNK)], srcs[j], isem[j])
        pltpu.async_copy(dst_hbm.at[pl.ds(off, CHUNK)], dsts[j], isem[j])

    def _idx_load_wait(i, j):
        off = base + i * CHUNK
        pltpu.make_async_copy(src_hbm.at[pl.ds(off, CHUNK)], srcs[j], isem[j]).wait()
        pltpu.make_async_copy(dst_hbm.at[pl.ds(off, CHUNK)], dsts[j], isem[j]).wait()

    def _gather_start(j):
        pltpu.async_copy(x_hbm.at[srcs[j]], rows[j], gsem[j])

    def _gather_wait(j):
        pltpu.make_async_copy(x_hbm.at[srcs[j]], rows[j], gsem[j]).wait()

    def _scatter(j):
        pltpu.sync_copy(rows[j], acc.at[dsts[j]], add=True)

    assert NCHUNK % 4 == 1
    _idx_load(0, 0)
    _idx_load(1, 1)
    _idx_load(2, 2)
    _idx_load_start(3, 3)
    _gather_start(0)
    _gather_start(1)
    _gather_start(2)

    def body(k, carry):
        cb = 4 * k
        for j in range(4):
            _gather_wait(j)
            _scatter(j)

            @pl.when(cb + j + 4 < NCHUNK)
            def _():
                _idx_load_start(cb + j + 4, j)

            jn = (j + 3) % 4

            @pl.when(cb + j + 3 < NCHUNK)
            def _():
                _idx_load_wait(cb + j + 3, jn)
                _gather_start(jn)

        return carry

    lax.fori_loop(0, NCHUNK // 4, body, 0)
    _gather_wait(0)
    _scatter(0)
    plsc.subcore_barrier()

    pltpu.sync_copy(acc.at[pl.ds(row0, ROWS_MAIN)],
                    out_hbm.at[c, pl.ds(row0, ROWS_MAIN)])

    @pl.when(s == 0)
    def _():
        pltpu.sync_copy(acc.at[pl.ds(NS * ROWS_MAIN, ROWS_TAIL)],
                        out_hbm.at[c, pl.ds(NS * ROWS_MAIN, ROWS_TAIL)])


_segment_sum_sc = functools.partial(
    pl.kernel,
    out_type=jax.ShapeDtypeStruct((NC, N, D), jnp.float32),
    mesh=_mesh,
    scratch_types=[
        pltpu.VMEM_SHARED((ACC_ROWS, D), jnp.float32),
    ] + [pltpu.VMEM((CHUNK,), jnp.int32) for _ in range(2 * NBUF)]
      + [pltpu.VMEM((CHUNK, D), jnp.float32) for _ in range(NBUF)]
      + [pltpu.SemaphoreType.DMA for _ in range(2 * NBUF)],
)(_seg_body)


def _dense_tc(p, w_mu, w_rho, eps_w, b_mu, b_rho, eps_b, relu):
    blk = 2000

    def body(p_ref, wmu, wrho, ew, bmu, brho, eb, o_ref):
        w = wmu[...] + jnp.log(1.0 + jnp.exp(wrho[...])) * ew[...]
        b = bmu[...] + jnp.log(1.0 + jnp.exp(brho[...])) * eb[...]
        agg = p_ref[0] + p_ref[1]
        y = jnp.dot(agg, w, preferred_element_type=jnp.float32) + b
        if relu:
            y = jnp.maximum(y, 0.0)
        o_ref[...] = y

    return pl.pallas_call(
        body,
        grid=(N // blk,),
        in_specs=[
            pl.BlockSpec((NC, blk, D), lambda i: (0, i, 0)),
            pl.BlockSpec((D, D), lambda i: (0, 0)),
            pl.BlockSpec((D, D), lambda i: (0, 0)),
            pl.BlockSpec((D, D), lambda i: (0, 0)),
            pl.BlockSpec((1, D), lambda i: (0, 0)),
            pl.BlockSpec((1, D), lambda i: (0, 0)),
            pl.BlockSpec((1, D), lambda i: (0, 0)),
        ],
        out_specs=pl.BlockSpec((blk, D), lambda i: (i, 0)),
        out_shape=jax.ShapeDtypeStruct((N, D), jnp.float32),
    )(p, w_mu, w_rho, eps_w,
      b_mu.reshape(1, D), b_rho.reshape(1, D), eps_b.reshape(1, D))


def kernel(x, edge_index, W1_mu, W1_rho, b1_mu, b1_rho, W2_mu, W2_rho, b2_mu, b2_rho):
    src = edge_index[0]
    dst = edge_index[1]
    zeros = jnp.zeros((ROWS_MAIN, D), jnp.float32)

    k = jax.random.key(42)
    k1, k2 = jax.random.split(k)
    kW1, kb1 = jax.random.split(k1)
    kW2, kb2 = jax.random.split(k2)
    eW1 = jax.random.normal(kW1, (D, D), jnp.float32)
    eb1 = jax.random.normal(kb1, (D,), jnp.float32)
    eW2 = jax.random.normal(kW2, (D, D), jnp.float32)
    eb2 = jax.random.normal(kb2, (D,), jnp.float32)

    p1 = _segment_sum_sc(x, src, dst, zeros)
    h = _dense_tc(p1, W1_mu, W1_rho, eW1, b1_mu, b1_rho, eb1, relu=True)
    p2 = _segment_sum_sc(h, src, dst, zeros)
    out = _dense_tc(p2, W2_mu, W2_rho, eW2, b2_mu, b2_rho, eb2, relu=False)
    return out

# --- scband reference (transcript-rebuilt; emitter-appended) ---
"""Pipeline reference for scband-bayesian-gnn-25786983645404 (READ-ONLY COPY).

The authoritative reference and input builder live on the scoring server;
editing this copy changes nothing except your own understanding.
"""

import jax, jax.numpy as jnp
import numpy as np

N = 10000
E = 320000
D_IN = 128
D_HID = 128
D_OUT = 128


def setup_inputs(seed: int = 0) -> dict:
    key = jax.random.key(seed)
    ks = jax.random.split(key, 8)
    x = jax.random.normal(ks[0], (N, D_IN), dtype=jnp.float32)
    edge_index = jax.random.randint(ks[1], (2, E), 0, N, dtype=jnp.int32)
    # Bayesian layer parameters: weight mean (mu) and raw stddev (rho, softplus-parameterized)
    W1_mu = jax.random.normal(ks[2], (D_IN, D_HID), dtype=jnp.float32) * 0.1
    W1_rho = jnp.full((D_IN, D_HID), -5.0, dtype=jnp.float32)
    b1_mu = jnp.zeros((D_HID,), dtype=jnp.float32)
    b1_rho = jnp.full((D_HID,), -5.0, dtype=jnp.float32)
    W2_mu = jax.random.normal(ks[3], (D_HID, D_OUT), dtype=jnp.float32) * 0.1
    W2_rho = jnp.full((D_HID, D_OUT), -5.0, dtype=jnp.float32)
    b2_mu = jnp.zeros((D_OUT,), dtype=jnp.float32)
    b2_rho = jnp.full((D_OUT,), -5.0, dtype=jnp.float32)
    return {
        "x": x,
        "edge_index": edge_index,
        "W1_mu": W1_mu, "W1_rho": W1_rho, "b1_mu": b1_mu, "b1_rho": b1_rho,
        "W2_mu": W2_mu, "W2_rho": W2_rho, "b2_mu": b2_mu, "b2_rho": b2_rho,
    }


def _bayes_conv(x, edge_index, W_mu, W_rho, b_mu, b_rho, key):
    # Sample weights via reparameterization: W = mu + softplus(rho) * eps
    kW, kb = jax.random.split(key)
    W = W_mu + jnp.log1p(jnp.exp(W_rho)) * jax.random.normal(kW, W_mu.shape, dtype=W_mu.dtype)
    b = b_mu + jnp.log1p(jnp.exp(b_rho)) * jax.random.normal(kb, b_mu.shape, dtype=b_mu.dtype)
    src = edge_index[0]
    dst = edge_index[1]
    # message passing: gather source features, scatter-add to destination nodes
    agg = jax.ops.segment_sum(x[src], dst, num_segments=x.shape[0])
    return agg @ W + b


def reference(x, edge_index, W1_mu, W1_rho, b1_mu, b1_rho, W2_mu, W2_rho, b2_mu, b2_rho):
    k = jax.random.key(42)
    k1, k2 = jax.random.split(k)
    h = _bayes_conv(x, edge_index, W1_mu, W1_rho, b1_mu, b1_rho, k1)
    h = jax.nn.relu(h)
    # F.dropout(p=0.5, training=self.training) is identity in eval mode
    out = _bayes_conv(h, edge_index, W2_mu, W2_rho, b2_mu, b2_rho, k2)
    return out

if __name__ == "__main__":
    import jax
    _d = setup_inputs()
    print(jax.jit(kernel)(*tuple(_d.values())))

</pallas_src>

<mosaic_0001>
#map = affine_map<(d0, d1) -> (0, 0)>
#map1 = affine_map<(d0, d1) -> (0)>
#map2 = affine_map<(d0, d1) -> (0, 0, 0)>
module attributes {stable_mosaic.version = 14 : i64} {
  func.func @_seg_body(%arg0: i32, %arg1: i32, %arg2: memref<10000x128xf32, #tpu.memory_space<hbm>>, %arg3: memref<320000xi32, #tpu.memory_space<hbm>>, %arg4: memref<320000xi32, #tpu.memory_space<hbm>>, %arg5: memref<624x128xf32, #tpu.memory_space<hbm>>, %arg6: memref<2x10000x128xf32, #tpu.memory_space<hbm>>, %arg7: memref<10000x128xf32, #tpu.memory_space<vmem_shared>>, %arg8: memref<80xi32, #tpu.memory_space<vmem>>, %arg9: memref<80xi32, #tpu.memory_space<vmem>>, %arg10: memref<80xi32, #tpu.memory_space<vmem>>, %arg11: memref<80xi32, #tpu.memory_space<vmem>>, %arg12: memref<80xi32, #tpu.memory_space<vmem>>, %arg13: memref<80xi32, #tpu.memory_space<vmem>>, %arg14: memref<80xi32, #tpu.memory_space<vmem>>, %arg15: memref<80xi32, #tpu.memory_space<vmem>>, %arg16: memref<80x128xf32, #tpu.memory_space<vmem>>, %arg17: memref<80x128xf32, #tpu.memory_space<vmem>>, %arg18: memref<80x128xf32, #tpu.memory_space<vmem>>, %arg19: memref<80x128xf32, #tpu.memory_space<vmem>>, %arg20: memref<!tpu.dma_semaphore, #tpu.memory_space<semaphore_mem>>, %arg21: memref<!tpu.dma_semaphore, #tpu.memory_space<semaphore_mem>>, %arg22: memref<!tpu.dma_semaphore, #tpu.memory_space<semaphore_mem>>, %arg23: memref<!tpu.dma_semaphore, #tpu.memory_space<semaphore_mem>>, %arg24: memref<!tpu.dma_semaphore, #tpu.memory_space<semaphore_mem>>, %arg25: memref<!tpu.dma_semaphore, #tpu.memory_space<semaphore_mem>>, %arg26: memref<!tpu.dma_semaphore, #tpu.memory_space<semaphore_mem>>, %arg27: memref<!tpu.dma_semaphore, #tpu.memory_space<semaphore_mem>>) attributes {dimension_semantics = [#tpu.dimension_semantics<core_parallel>, #tpu.dimension_semantics<subcore_parallel>], iteration_bounds = array<i64: 2, 16>, scalar_prefetch = 0 : i64, scratch_operands = 21 : i64, tpu.core_type = #tpu.core_type<sc_vector_subcore>, window_params = [{transform_indices = #map}, {transform_indices = #map1}, {transform_indices = #map1}, {transform_indices = #map}, {transform_indices = #map2}]} {
    %mul3A = arith.constant 2 : i32
    %mul3A_0 = arith.muli %arg1, %mul3A : i32
    %add3A = arith.addi %mul3A_0, %arg0 : i32
    %mul3A_1 = arith.constant 10000 : i32
    %mul3A_2 = arith.muli %add3A, %mul3A_1 : i32
    %mul3A_3 = arith.constant 624 : i32
    %mul3A_4 = arith.muli %arg1, %mul3A_3 : i32
    "tpu.region"() ({
      %run_scoped3A = tpu.sem_alloc : memref<!tpu.dma_semaphore, #tpu.memory_space<semaphore_mem>>
      %dma_start3A_40 = arith.constant 0 : i32
      %dma_start3A_41 = tpu.memref_slice %arg7[%mul3A_4, %dma_start3A_40] : memref<10000x128xf32, #tpu.memory_space<vmem_shared>> -> memref<624x128xf32, #tpu.memory_space<vmem_shared>>
      %dma_start3A_42 = arith.constant 0 : i32
      %dma_start3A_43 = arith.constant 0 : i32
      %dma_start3A_44 = tpu.memref_slice %arg5[%dma_start3A_42, %dma_start3A_43] : memref<624x128xf32, #tpu.memory_space<hbm>> -> memref<624x128xf32, #tpu.memory_space<hbm>>
      tpu.enqueue_dma source(%dma_start3A_44 : memref<624x128xf32, #tpu.memory_space<hbm>>) target(%dma_start3A_41 : memref<624x128xf32, #tpu.memory_space<vmem_shared>>) target_semaphore(%run_scoped3A : memref<!tpu.dma_semaphore, #tpu.memory_space<semaphore_mem>>)
      %dma_wait3A_45 = arith.constant 0 : i32
      %dma_wait3A_46 = tpu.memref_slice %arg7[%mul3A_4, %dma_wait3A_45] : memref<10000x128xf32, #tpu.memory_space<vmem_shared>> -> memref<624x128xf32, #tpu.memory_space<vmem_shared>>
      %dma_wait3A_47 = arith.constant 0 : i32
      %dma_wait3A_48 = arith.constant 0 : i32
      %dma_wait3A_49 = tpu.memref_slice %arg5[%dma_wait3A_47, %dma_wait3A_48] : memref<624x128xf32, #tpu.memory_space<hbm>> -> memref<624x128xf32, #tpu.memory_space<hbm>>
      tpu.wait_dma2 semaphore(%run_scoped3A : memref<!tpu.dma_semaphore, #tpu.memory_space<semaphore_mem>>) src(%dma_wait3A_49 : memref<624x128xf32, #tpu.memory_space<hbm>>) dst(%dma_wait3A_46 : memref<624x128xf32, #tpu.memory_space<vmem_shared>>)
      tpu.yield
    }) : () -> ()
    %eq3A = arith.constant 0 : i32
    %eq3A_5 = arith.cmpi eq, %arg1, %eq3A : i32
    %convert_element_type3A = arith.extui %eq3A_5 : i1 to i32
    %cond3A = arith.constant 0 : i32
    %cond3A_6 = arith.cmpi ne, %convert_element_type3A, %cond3A : i32
    scf.if %cond3A_6 {
      "tpu.region"() ({
        %run_scoped3A = tpu.sem_alloc : memref<!tpu.dma_semaphore, #tpu.memory_space<semaphore_mem>>
        %dma_start3A_40 = arith.constant 9984 : i32
        %dma_start3A_41 = arith.constant 0 : i32
        %dma_start3A_42 = tpu.memref_slice %arg7[%dma_start3A_40, %dma_start3A_41] : memref<10000x128xf32, #tpu.memory_space<vmem_shared>> -> memref<16x128xf32, #tpu.memory_space<vmem_shared>>
        %dma_start3A_43 = arith.constant 0 : i32
        %dma_start3A_44 = arith.constant 0 : i32
        %dma_start3A_45 = tpu.memref_slice %arg5[%dma_start3A_43, %dma_start3A_44] : memref<624x128xf32, #tpu.memory_space<hbm>> -> memref<16x128xf32, #tpu.memory_space<hbm>>
        tpu.enqueue_dma source(%dma_start3A_45 : memref<16x128xf32, #tpu.memory_space<hbm>>) target(%dma_start3A_42 : memref<16x128xf32, #tpu.memory_space<vmem_shared>>) target_semaphore(%run_scoped3A : memref<!tpu.dma_semaphore, #tpu.memory_space<semaphore_mem>>)
        %dma_wait3A_46 = arith.constant 9984 : i32
        %dma_wait3A_47 = arith.constant 0 : i32
        %dma_wait3A_48 = tpu.memref_slice %arg7[%dma_wait3A_46, %dma_wait3A_47] : memref<10000x128xf32, #tpu.memory_space<vmem_shared>> -> memref<16x128xf32, #tpu.memory_space<vmem_shared>>
        %dma_wait3A_49 = arith.constant 0 : i32
        %dma_wait3A_50 = arith.constant 0 : i32
        %dma_wait3A_51 = tpu.memref_slice %arg5[%dma_wait3A_49, %dma_wait3A_50] : memref<624x128xf32, #tpu.memory_space<hbm>> -> memref<16x128xf32, #tpu.memory_space<hbm>>
        tpu.wait_dma2 semaphore(%run_scoped3A : memref<!tpu.dma_semaphore, #tpu.memory_space<semaphore_mem>>) src(%dma_wait3A_51 : memref<16x128xf32, #tpu.memory_space<hbm>>) dst(%dma_wait3A_48 : memref<16x128xf32, #tpu.memory_space<vmem_shared>>)
        tpu.yield
      }) : () -> ()
    } else {
    }
    %barrier3A = arith.constant 0 : index
    tpu.barrier barrier_id(%barrier3A)
    %add3A_7 = arith.constant 0 : i32
    %add3A_8 = arith.addi %mul3A_2, %add3A_7 : i32
    "tpu.region"() ({
      %run_scoped3A = tpu.sem_alloc : memref<!tpu.dma_semaphore, #tpu.memory_space<semaphore_mem>>
      %dma_start3A_40 = tpu.memref_slice %arg3[%add3A_8] : memref<320000xi32, #tpu.memory_space<hbm>> -> memref<80xi32, #tpu.memory_space<hbm>>
      %dma_start3A_41 = tpu.memref_slice %arg3[%add3A_8] : memref<320000xi32, #tpu.memory_space<hbm>> -> memref<80xi32, #tpu.memory_space<hbm>>
      tpu.enqueue_dma source(%dma_start3A_41 : memref<80xi32, #tpu.memory_space<hbm>>) target(%arg8 : memref<80xi32, #tpu.memory_space<vmem>>) target_semaphore(%run_scoped3A : memref<!tpu.dma_semaphore, #tpu.memory_space<semaphore_mem>>)
      %dma_wait3A_42 = tpu.memref_slice %arg3[%add3A_8] : memref<320000xi32, #tpu.memory_space<hbm>> -> memref<80xi32, #tpu.memory_space<hbm>>
      %dma_wait3A_43 = tpu.memref_slice %arg3[%add3A_8] : memref<320000xi32, #tpu.memory_space<hbm>> -> memref<80xi32, #tpu.memory_space<hbm>>
      tpu.wait_dma2 semaphore(%run_scoped3A : memref<!tpu.dma_semaphore, #tpu.memory_space<semaphore_mem>>) src(%dma_wait3A_43 : memref<80xi32, #tpu.memory_space<hbm>>) dst(%arg8 : memref<80xi32, #tpu.memory_space<vmem>>)
      tpu.yield
    }) : () -> ()
    "tpu.region"() ({
      %run_scoped3A = tpu.sem_alloc : memref<!tpu.dma_semaphore, #tpu.memory_space<semaphore_mem>>
      %dma_start3A_40 = tpu.memref_slice %arg4[%add3A_8] : memref<320000xi32, #tpu.memory_space<hbm>> -> memref<80xi32, #tpu.memory_space<hbm>>
      %dma_start3A_41 = tpu.memref_slice %arg4[%add3A_8] : memref<320000xi32, #tpu.memory_space<hbm>> -> memref<80xi32, #tpu.memory_space<hbm>>
      tpu.enqueue_dma source(%dma_start3A_41 : memref<80xi32, #tpu.memory_space<hbm>>) target(%arg9 : memref<80xi32, #tpu.memory_space<vmem>>) target_semaphore(%run_scoped3A : memref<!tpu.dma_semaphore, #tpu.memory_space<semaphore_mem>>)
      %dma_wait3A_42 = tpu.memref_slice %arg4[%add3A_8] : memref<320000xi32, #tpu.memory_space<hbm>> -> memref<80xi32, #tpu.memory_space<hbm>>
      %dma_wait3A_43 = tpu.memref_slice %arg4[%add3A_8] : memref<320000xi32, #tpu.memory_space<hbm>> -> memref<80xi32, #tpu.memory_space<hbm>>
      tpu.wait_dma2 semaphore(%run_scoped3A : memref<!tpu.dma_semaphore, #tpu.memory_space<semaphore_mem>>) src(%dma_wait3A_43 : memref<80xi32, #tpu.memory_space<hbm>>) dst(%arg9 : memref<80xi32, #tpu.memory_space<vmem>>)
      tpu.yield
    }) : () -> ()
    %add3A_9 = arith.constant 80 : i32
    %add3A_10 = arith.addi %mul3A_2, %add3A_9 : i32
    "tpu.region"() ({
      %run_scoped3A = tpu.sem_alloc : memref<!tpu.dma_semaphore, #tpu.memory_space<semaphore_mem>>
      %dma_start3A_40 = tpu.memref_slice %arg3[%add3A_10] : memref<320000xi32, #tpu.memory_space<hbm>> -> memref<80xi32, #tpu.memory_space<hbm>>
      %dma_start3A_41 = tpu.memref_slice %arg3[%add3A_10] : memref<320000xi32, #tpu.memory_space<hbm>> -> memref<80xi32, #tpu.memory_space<hbm>>
      tpu.enqueue_dma source(%dma_start3A_41 : memref<80xi32, #tpu.memory_space<hbm>>) target(%arg10 : memref<80xi32, #tpu.memory_space<vmem>>) target_semaphore(%run_scoped3A : memref<!tpu.dma_semaphore, #tpu.memory_space<semaphore_mem>>)
      %dma_wait3A_42 = tpu.memref_slice %arg3[%add3A_10] : memref<320000xi32, #tpu.memory_space<hbm>> -> memref<80xi32, #tpu.memory_space<hbm>>
      %dma_wait3A_43 = tpu.memref_slice %arg3[%add3A_10] : memref<320000xi32, #tpu.memory_space<hbm>> -> memref<80xi32, #tpu.memory_space<hbm>>
      tpu.wait_dma2 semaphore(%run_scoped3A : memref<!tpu.dma_semaphore, #tpu.memory_space<semaphore_mem>>) src(%dma_wait3A_43 : memref<80xi32, #tpu.memory_space<hbm>>) dst(%arg10 : memref<80xi32, #tpu.memory_space<vmem>>)
      tpu.yield
    }) : () -> ()
    "tpu.region"() ({
      %run_scoped3A = tpu.sem_alloc : memref<!tpu.dma_semaphore, #tpu.memory_space<semaphore_mem>>
      %dma_start3A_40 = tpu.memref_slice %arg4[%add3A_10] : memref<320000xi32, #tpu.memory_space<hbm>> -> memref<80xi32, #tpu.memory_space<hbm>>
      %dma_start3A_41 = tpu.memref_slice %arg4[%add3A_10] : memref<320000xi32, #tpu.memory_space<hbm>> -> memref<80xi32, #tpu.memory_space<hbm>>
      tpu.enqueue_dma source(%dma_start3A_41 : memref<80xi32, #tpu.memory_space<hbm>>) target(%arg11 : memref<80xi32, #tpu.memory_space<vmem>>) target_semaphore(%run_scoped3A : memref<!tpu.dma_semaphore, #tpu.memory_space<semaphore_mem>>)
      %dma_wait3A_42 = tpu.memref_slice %arg4[%add3A_10] : memref<320000xi32, #tpu.memory_space<hbm>> -> memref<80xi32, #tpu.memory_space<hbm>>
      %dma_wait3A_43 = tpu.memref_slice %arg4[%add3A_10] : memref<320000xi32, #tpu.memory_space<hbm>> -> memref<80xi32, #tpu.memory_space<hbm>>
      tpu.wait_dma2 semaphore(%run_scoped3A : memref<!tpu.dma_semaphore, #tpu.memory_space<semaphore_mem>>) src(%dma_wait3A_43 : memref<80xi32, #tpu.memory_space<hbm>>) dst(%arg11 : memref<80xi32, #tpu.memory_space<vmem>>)
      tpu.yield
    }) : () -> ()
    %add3A_11 = arith.constant 160 : i32
    %add3A_12 = arith.addi %mul3A_2, %add3A_11 : i32
    "tpu.region"() ({
      %run_scoped3A = tpu.sem_alloc : memref<!tpu.dma_semaphore, #tpu.memory_space<semaphore_mem>>
      %dma_start3A_40 = tpu.memref_slice %arg3[%add3A_12] : memref<320000xi32, #tpu.memory_space<hbm>> -> memref<80xi32, #tpu.memory_space<hbm>>
      %dma_start3A_41 = tpu.memref_slice %arg3[%add3A_12] : memref<320000xi32, #tpu.memory_space<hbm>> -> memref<80xi32, #tpu.memory_space<hbm>>
      tpu.enqueue_dma source(%dma_start3A_41 : memref<80xi32, #tpu.memory_space<hbm>>) target(%arg12 : memref<80xi32, #tpu.memory_space<vmem>>) target_semaphore(%run_scoped3A : memref<!tpu.dma_semaphore, #tpu.memory_space<semaphore_mem>>)
      %dma_wait3A_42 = tpu.memref_slice %arg3[%add3A_12] : memref<320000xi32, #tpu.memory_space<hbm>> -> memref<80xi32, #tpu.memory_space<hbm>>
      %dma_wait3A_43 = tpu.memref_slice %arg3[%add3A_12] : memref<320000xi32, #tpu.memory_space<hbm>> -> memref<80xi32, #tpu.memory_space<hbm>>
      tpu.wait_dma2 semaphore(%run_scoped3A : memref<!tpu.dma_semaphore, #tpu.memory_space<semaphore_mem>>) src(%dma_wait3A_43 : memref<80xi32, #tpu.memory_space<hbm>>) dst(%arg12 : memref<80xi32, #tpu.memory_space<vmem>>)
      tpu.yield
    }) : () -> ()
    "tpu.region"() ({
      %run_scoped3A = tpu.sem_alloc : memref<!tpu.dma_semaphore, #tpu.memory_space<semaphore_mem>>
      %dma_start3A_40 = tpu.memref_slice %arg4[%add3A_12] : memref<320000xi32, #tpu.memory_space<hbm>> -> memref<80xi32, #tpu.memory_space<hbm>>
      %dma_start3A_41 = tpu.memref_slice %arg4[%add3A_12] : memref<320000xi32, #tpu.memory_space<hbm>> -> memref<80xi32, #tpu.memory_space<hbm>>
      tpu.enqueue_dma source(%dma_start3A_41 : memref<80xi32, #tpu.memory_space<hbm>>) target(%arg13 : memref<80xi32, #tpu.memory_space<vmem>>) target_semaphore(%run_scoped3A : memref<!tpu.dma_semaphore, #tpu.memory_space<semaphore_mem>>)
      %dma_wait3A_42 = tpu.memref_slice %arg4[%add3A_12] : memref<320000xi32, #tpu.memory_space<hbm>> -> memref<80xi32, #tpu.memory_space<hbm>>
      %dma_wait3A_43 = tpu.memref_slice %arg4[%add3A_12] : memref<320000xi32, #tpu.memory_space<hbm>> -> memref<80xi32, #tpu.memory_space<hbm>>
      tpu.wait_dma2 semaphore(%run_scoped3A : memref<!tpu.dma_semaphore, #tpu.memory_space<semaphore_mem>>) src(%dma_wait3A_43 : memref<80xi32, #tpu.memory_space<hbm>>) dst(%arg13 : memref<80xi32, #tpu.memory_space<vmem>>)
      tpu.yield
    }) : () -> ()
    %add3A_13 = arith.constant 240 : i32
    %add3A_14 = arith.addi %mul3A_2, %add3A_13 : i32
    %dma_start3A = tpu.memref_slice %arg3[%add3A_14] : memref<320000xi32, #tpu.memory_space<hbm>> -> memref<80xi32, #tpu.memory_space<hbm>>
    %dma_start3A_15 = tpu.memref_slice %arg3[%add3A_14] : memref<320000xi32, #tpu.memory_space<hbm>> -> memref<80xi32, #tpu.memory_space<hbm>>
    tpu.enqueue_dma source(%dma_start3A_15 : memref<80xi32, #tpu.memory_space<hbm>>) target(%arg14 : memref<80xi32, #tpu.memory_space<vmem>>) target_semaphore(%arg27 : memref<!tpu.dma_semaphore, #tpu.memory_space<semaphore_mem>>)
    %dma_start3A_16 = tpu.memref_slice %arg4[%add3A_14] : memref<320000xi32, #tpu.memory_space<hbm>> -> memref<80xi32, #tpu.memory_space<hbm>>
    %dma_start3A_17 = tpu.memref_slice %arg4[%add3A_14] : memref<320000xi32, #tpu.memory_space<hbm>> -> memref<80xi32, #tpu.memory_space<hbm>>
    tpu.enqueue_dma source(%dma_start3A_17 : memref<80xi32, #tpu.memory_space<hbm>>) target(%arg15 : memref<80xi32, #tpu.memory_space<vmem>>) target_semaphore(%arg27 : memref<!tpu.dma_semaphore, #tpu.memory_space<semaphore_mem>>)
    %dma_start3A_18 = arith.constant 0 : i32
    %dma_start3A_19 = arith.constant 0 : i32
    %dma_start3A_20 = tpu.memref_slice %arg2[%dma_start3A_18, %dma_start3A_19] : memref<10000x128xf32, #tpu.memory_space<hbm>> -> memref<10000x128xf32, #tpu.memory_space<hbm>>
    tpu.enqueue_indirect_dma source(%dma_start3A_20 : memref<10000x128xf32, #tpu.memory_space<hbm>>) target(%arg16 : memref<80x128xf32, #tpu.memory_space<vmem>>) offsets(%arg8 : memref<80xi32, #tpu.memory_space<vmem>>) semaphore(%arg20 : memref<!tpu.dma_semaphore, #tpu.memory_space<semaphore_mem>>)
    %dma_start3A_21 = arith.constant 0 : i32
    %dma_start3A_22 = arith.constant 0 : i32
    %dma_start3A_23 = tpu.memref_slice %arg2[%dma_start3A_21, %dma_start3A_22] : memref<10000x128xf32, #tpu.memory_space<hbm>> -> memref<10000x128xf32, #tpu.memory_space<hbm>>
    tpu.enqueue_indirect_dma source(%dma_start3A_23 : memref<10000x128xf32, #tpu.memory_space<hbm>>) target(%arg17 : memref<80x128xf32, #tpu.memory_space<vmem>>) offsets(%arg10 : memref<80xi32, #tpu.memory_space<vmem>>) semaphore(%arg21 : memref<!tpu.dma_semaphore, #tpu.memory_space<semaphore_mem>>)
    %dma_start3A_24 = arith.constant 0 : i32
    %dma_start3A_25 = arith.constant 0 : i32
    %dma_start3A_26 = tpu.memref_slice %arg2[%dma_start3A_24, %dma_start3A_25] : memref<10000x128xf32, #tpu.memory_space<hbm>> -> memref<10000x128xf32, #tpu.memory_space<hbm>>
    tpu.enqueue_indirect_dma source(%dma_start3A_26 : memref<10000x128xf32, #tpu.memory_space<hbm>>) target(%arg18 : memref<80x128xf32, #tpu.memory_space<vmem>>) offsets(%arg12 : memref<80xi32, #tpu.memory_space<vmem>>) semaphore(%arg22 : memref<!tpu.dma_semaphore, #tpu.memory_space<semaphore_mem>>)
    %scan3A = arith.constant 0 : i32
    %scan3A_27 = arith.constant 0 : i32
    %scan3A_28 = arith.constant 31 : i32
    %scan3A_29 = arith.addi %scan3A_27, %scan3A_28 : i32
    %scan3A_30 = arith.constant 1 : i32
    scf.for %scan3A_40 = %scan3A_27 to %scan3A_29 step %scan3A_30  : i32 {
      %mul3A_41 = arith.constant 4 : i32
      %mul3A_42 = arith.muli %mul3A_41, %scan3A_40 : i32
      %dma_wait3A_43 = arith.constant 0 : i32
      %dma_wait3A_44 = arith.constant 0 : i32
      %dma_wait3A_45 = tpu.memref_slice %arg2[%dma_wait3A_43, %dma_wait3A_44] : memref<10000x128xf32, #tpu.memory_space<hbm>> -> memref<10000x128xf32, #tpu.memory_space<hbm>>
      tpu.wait_indirect_dma semaphore(%arg20 : memref<!tpu.dma_semaphore, #tpu.memory_space<semaphore_mem>>) src(%dma_wait3A_45 : memref<10000x128xf32, #tpu.memory_space<hbm>>) dst(%arg16 : memref<80x128xf32, #tpu.memory_space<vmem>>)
      "tpu.region"() ({
        %run_scoped3A = tpu.sem_alloc : memref<!tpu.dma_semaphore, #tpu.memory_space<semaphore_mem>>
        %dma_start3A_126 = arith.constant 0 : i32
        %dma_start3A_127 = arith.constant 0 : i32
        %dma_start3A_128 = tpu.memref_slice %arg7[%dma_start3A_126, %dma_start3A_127] : memref<10000x128xf32, #tpu.memory_space<vmem_shared>> -> memref<10000x128xf32, #tpu.memory_space<vmem_shared>>
        tpu.enqueue_indirect_dma source(%arg16 : memref<80x128xf32, #tpu.memory_space<vmem>>) target(%dma_start3A_128 : memref<10000x128xf32, #tpu.memory_space<vmem_shared>>) offsets(%arg9 : memref<80xi32, #tpu.memory_space<vmem>>) semaphore(%run_scoped3A : memref<!tpu.dma_semaphore, #tpu.memory_space<semaphore_mem>>) {add = true}
        %dma_wait3A_129 = arith.constant 0 : i32
        %dma_wait3A_130 = arith.constant 0 : i32
        %dma_wait3A_131 = tpu.memref_slice %arg7[%dma_wait3A_129, %dma_wait3A_130] : memref<10000x128xf32, #tpu.memory_space<vmem_shared>> -> memref<10000x128xf32, #tpu.memory_space<vmem_shared>>
        tpu.wait_indirect_dma semaphore(%run_scoped3A : memref<!tpu.dma_semaphore, #tpu.memory_space<semaphore_mem>>) src(%arg16 : memref<80x128xf32, #tpu.memory_space<vmem>>) dst(%dma_wait3A_131 : memref<10000x128xf32, #tpu.memory_space<vmem_shared>>)
        tpu.yield
      }) : () -> ()
      %add3A_46 = arith.constant 0 : i32
      %add3A_47 = arith.addi %mul3A_42, %add3A_46 : i32
      %add3A_48 = arith.constant 4 : i32
      %add3A_49 = arith.addi %add3A_47, %add3A_48 : i32
      %lt3A = arith.constant 125 : i32
      %lt3A_50 = arith.cmpi slt, %add3A_49, %lt3A : i32
      %convert_element_type3A_51 = arith.extui %lt3A_50 : i1 to i32
      %cond3A_52 = arith.constant 0 : i32
      %cond3A_53 = arith.cmpi ne, %convert_element_type3A_51, %cond3A_52 : i32
      scf.if %cond3A_53 {
        %add3A_126 = arith.constant 0 : i32
        %add3A_127 = arith.addi %mul3A_42, %add3A_126 : i32
        %add3A_128 = arith.constant 4 : i32
        %add3A_129 = arith.addi %add3A_127, %add3A_128 : i32
        %mul3A_130 = arith.constant 80 : i32
        %mul3A_131 = arith.muli %add3A_129, %mul3A_130 : i32
        %add3A_132 = arith.addi %mul3A_2, %mul3A_131 : i32
        %dma_start3A_133 = tpu.memref_slice %arg3[%add3A_132] : memref<320000xi32, #tpu.memory_space<hbm>> -> memref<80xi32, #tpu.memory_space<hbm>>
        %dma_start3A_134 = tpu.memref_slice %arg3[%add3A_132] : memref<320000xi32, #tpu.memory_space<hbm>> -> memref<80xi32, #tpu.memory_space<hbm>>
        tpu.enqueue_dma source(%dma_start3A_134 : memref<80xi32, #tpu.memory_space<hbm>>) target(%arg8 : memref<80xi32, #tpu.memory_space<vmem>>) target_semaphore(%arg24 : memref<!tpu.dma_semaphore, #tpu.memory_space<semaphore_mem>>)
        %dma_start3A_135 = tpu.memref_slice %arg4[%add3A_132] : memref<320000xi32, #tpu.memory_space<hbm>> -> memref<80xi32, #tpu.memory_space<hbm>>
        %dma_start3A_136 = tpu.memref_slice %arg4[%add3A_132] : memref<320000xi32, #tpu.memory_space<hbm>> -> memref<80xi32, #tpu.memory_space<hbm>>
        tpu.enqueue_dma source(%dma_start3A_136 : memref<80xi32, #tpu.memory_space<hbm>>) target(%arg9 : memref<80xi32, #tpu.memory_space<vmem>>) target_semaphore(%arg24 : memref<!tpu.dma_semaphore, #tpu.memory_space<semaphore_mem>>)
      } else {
      }
      %add3A_54 = arith.constant 0 : i32
      %add3A_55 = arith.addi %mul3A_42, %add3A_54 : i32
      %add3A_56 = arith.constant 3 : i32
      %add3A_57 = arith.addi %add3A_55, %add3A_56 : i32
      %lt3A_58 = arith.constant 125 : i32
      %lt3A_59 = arith.cmpi slt, %add3A_57, %lt3A_58 : i32
      %convert_element_type3A_60 = arith.extui %lt3A_59 : i1 to i32
      %cond3A_61 = arith.constant 0 : i32
      %cond3A_62 = arith.cmpi ne, %convert_element_type3A_60, %cond3A_61 : i32
      scf.if %cond3A_62 {
        %add3A_126 = arith.constant 0 : i32
        %add3A_127 = arith.addi %mul3A_42, %add3A_126 : i32
        %add3A_128 = arith.constant 3 : i32
        %add3A_129 = arith.addi %add3A_127, %add3A_128 : i32
        %mul3A_130 = arith.constant 80 : i32
        %mul3A_131 = arith.muli %add3A_129, %mul3A_130 : i32
        %add3A_132 = arith.addi %mul3A_2, %mul3A_131 : i32
        %dma_wait3A_133 = tpu.memref_slice %arg3[%add3A_132] : memref<320000xi32, #tpu.memory_space<hbm>> -> memref<80xi32, #tpu.memory_space<hbm>>
        %dma_wait3A_134 = tpu.memref_slice %arg3[%add3A_132] : memref<320000xi32, #tpu.memory_space<hbm>> -> memref<80xi32, #tpu.memory_space<hbm>>
        tpu.wait_dma2 semaphore(%arg27 : memref<!tpu.dma_semaphore, #tpu.memory_space<semaphore_mem>>) src(%dma_wait3A_134 : memref<80xi32, #tpu.memory_space<hbm>>) dst(%arg14 : memref<80xi32, #tpu.memory_space<vmem>>)
        %dma_wait3A_135 = tpu.memref_slice %arg4[%add3A_132] : memref<320000xi32, #tpu.memory_space<hbm>> -> memref<80xi32, #tpu.memory_space<hbm>>
        %dma_wait3A_136 = tpu.memref_slice %arg4[%add3A_132] : memref<320000xi32, #tpu.memory_space<hbm>> -> memref<80xi32, #tpu.memory_space<hbm>>
        tpu.wait_dma2 semaphore(%arg27 : memref<!tpu.dma_semaphore, #tpu.memory_space<semaphore_mem>>) src(%dma_wait3A_136 : memref<80xi32, #tpu.memory_space<hbm>>) dst(%arg15 : memref<80xi32, #tpu.memory_space<vmem>>)
        %dma_start3A_137 = arith.constant 0 : i32
        %dma_start3A_138 = arith.constant 0 : i32
        %dma_start3A_139 = tpu.memref_slice %arg2[%dma_start3A_137, %dma_start3A_138] : memref<10000x128xf32, #tpu.memory_space<hbm>> -> memref<10000x128xf32, #tpu.memory_space<hbm>>
        tpu.enqueue_indirect_dma source(%dma_start3A_139 : memref<10000x128xf32, #tpu.memory_space<hbm>>) target(%arg19 : memref<80x128xf32, #tpu.memory_space<vmem>>) offsets(%arg14 : memref<80xi32, #tpu.memory_space<vmem>>) semaphore(%arg23 : memref<!tpu.dma_semaphore, #tpu.memory_space<semaphore_mem>>)
      } else {
      }
      %dma_wait3A_63 = arith.constant 0 : i32
      %dma_wait3A_64 = arith.constant 0 : i32
      %dma_wait3A_65 = tpu.memref_slice %arg2[%dma_wait3A_63, %dma_wait3A_64] : memref<10000x128xf32, #tpu.memory_space<hbm>> -> memref<10000x128xf32, #tpu.memory_space<hbm>>
      tpu.wait_indirect_dma semaphore(%arg21 : memref<!tpu.dma_semaphore, #tpu.memory_space<semaphore_mem>>) src(%dma_wait3A_65 : memref<10000x128xf32, #tpu.memory_space<hbm>>) dst(%arg17 : memref<80x128xf32, #tpu.memory_space<vmem>>)
      "tpu.region"() ({
        %run_scoped3A = tpu.sem_alloc : memref<!tpu.dma_semaphore, #tpu.memory_space<semaphore_mem>>
        %dma_start3A_126 = arith.constant 0 : i32
        %dma_start3A_127 = arith.constant 0 : i32
        %dma_start3A_128 = tpu.memref_slice %arg7[%dma_start3A_126, %dma_start3A_127] : memref<10000x128xf32, #tpu.memory_space<vmem_shared>> -> memref<10000x128xf32, #tpu.memory_space<vmem_shared>>
        tpu.enqueue_indirect_dma source(%arg17 : memref<80x128xf32, #tpu.memory_space<vmem>>) target(%dma_start3A_128 : memref<10000x128xf32, #tpu.memory_space<vmem_shared>>) offsets(%arg11 : memref<80xi32, #tpu.memory_space<vmem>>) semaphore(%run_scoped3A : memref<!tpu.dma_semaphore, #tpu.memory_space<semaphore_mem>>) {add = true}
        %dma_wait3A_129 = arith.constant 0 : i32
        %dma_wait3A_130 = arith.constant 0 : i32
        %dma_wait3A_131 = tpu.memref_slice %arg7[%dma_wait3A_129, %dma_wait3A_130] : memref<10000x128xf32, #tpu.memory_space<vmem_shared>> -> memref<10000x128xf32, #tpu.memory_space<vmem_shared>>
        tpu.wait_indirect_dma semaphore(%run_scoped3A : memref<!tpu.dma_semaphore, #tpu.memory_space<semaphore_mem>>) src(%arg17 : memref<80x128xf32, #tpu.memory_space<vmem>>) dst(%dma_wait3A_131 : memref<10000x128xf32, #tpu.memory_space<vmem_shared>>)
        tpu.yield
      }) : () -> ()
      %add3A_66 = arith.constant 1 : i32
      %add3A_67 = arith.addi %mul3A_42, %add3A_66 : i32
      %add3A_68 = arith.constant 4 : i32
      %add3A_69 = arith.addi %add3A_67, %add3A_68 : i32
      %lt3A_70 = arith.constant 125 : i32
      %lt3A_71 = arith.cmpi slt, %add3A_69, %lt3A_70 : i32
      %convert_element_type3A_72 = arith.extui %lt3A_71 : i1 to i32
      %cond3A_73 = arith.constant 0 : i32
      %cond3A_74 = arith.cmpi ne, %convert_element_type3A_72, %cond3A_73 : i32
      scf.if %cond3A_74 {
        %add3A_126 = arith.constant 1 : i32
        %add3A_127 = arith.addi %mul3A_42, %add3A_126 : i32
        %add3A_128 = arith.constant 4 : i32
        %add3A_129 = arith.addi %add3A_127, %add3A_128 : i32
        %mul3A_130 = arith.constant 80 : i32
        %mul3A_131 = arith.muli %add3A_129, %mul3A_130 : i32
        %add3A_132 = arith.addi %mul3A_2, %mul3A_131 : i32
        %dma_start3A_133 = tpu.memref_slice %arg3[%add3A_132] : memref<320000xi32, #tpu.memory_space<hbm>> -> memref<80xi32, #tpu.memory_space<hbm>>
        %dma_start3A_134 = tpu.memref_slice %arg3[%add3A_132] : memref<320000xi32, #tpu.memory_space<hbm>> -> memref<80xi32, #tpu.memory_space<hbm>>
        tpu.enqueue_dma source(%dma_start3A_134 : memref<80xi32, #tpu.memory_space<hbm>>) target(%arg10 : memref<80xi32, #tpu.memory_space<vmem>>) target_semaphore(%arg25 : memref<!tpu.dma_semaphore, #tpu.memory_space<semaphore_mem>>)
        %dma_start3A_135 = tpu.memref_slice %arg4[%add3A_132] : memref<320000xi32, #tpu.memory_space<hbm>> -> memref<80xi32, #tpu.memory_space<hbm>>
        %dma_start3A_136 = tpu.memref_slice %arg4[%add3A_132] : memref<320000xi32, #tpu.memory_space<hbm>> -> memref<80xi32, #tpu.memory_space<hbm>>
        tpu.enqueue_dma source(%dma_start3A_136 : memref<80xi32, #tpu.memory_space<hbm>>) target(%arg11 : memref<80xi32, #tpu.memory_space<vmem>>) target_semaphore(%arg25 : memref<!tpu.dma_semaphore, #tpu.memory_space<semaphore_mem>>)
      } else {
      }
      %add3A_75 = arith.constant 1 : i32
      %add3A_76 = arith.addi %mul3A_42, %add3A_75 : i32
      %add3A_77 = arith.constant 3 : i32
      %add3A_78 = arith.addi %add3A_76, %add3A_77 : i32
      %lt3A_79 = arith.constant 125 : i32
      %lt3A_80 = arith.cmpi slt, %add3A_78, %lt3A_79 : i32
      %convert_element_type3A_81 = arith.extui %lt3A_80 : i1 to i32
      %cond3A_82 = arith.constant 0 : i32
      %cond3A_83 = arith.cmpi ne, %convert_element_type3A_81, %cond3A_82 : i32
      scf.if %cond3A_83 {
        %add3A_126 = arith.constant 1 : i32
        %add3A_127 = arith.addi %mul3A_42, %add3A_126 : i32
        %add3A_128 = arith.constant 3 : i32
        %add3A_129 = arith.addi %add3A_127, %add3A_128 : i32
        %mul3A_130 = arith.constant 80 : i32
        %mul3A_131 = arith.muli %add3A_129, %mul3A_130 : i32
        %add3A_132 = arith.addi %mul3A_2, %mul3A_131 : i32
        %dma_wait3A_133 = tpu.memref_slice %arg3[%add3A_132] : memref<320000xi32, #tpu.memory_space<hbm>> -> memref<80xi32, #tpu.memory_space<hbm>>
        %dma_wait3A_134 = tpu.memref_slice %arg3[%add3A_132] : memref<320000xi32, #tpu.memory_space<hbm>> -> memref<80xi32, #tpu.memory_space<hbm>>
        tpu.wait_dma2 semaphore(%arg24 : memref<!tpu.dma_semaphore, #tpu.memory_space<semaphore_mem>>) src(%dma_wait3A_134 : memref<80xi32, #tpu.memory_space<hbm>>) dst(%arg8 : memref<80xi32, #tpu.memory_space<vmem>>)
        %dma_wait3A_135 = tpu.memref_slice %arg4[%add3A_132] : memref<320000xi32, #tpu.memory_space<hbm>> -> memref<80xi32, #tpu.memory_space<hbm>>
        %dma_wait3A_136 = tpu.memref_slice %arg4[%add3A_132] : memref<320000xi32, #tpu.memory_space<hbm>> -> memref<80xi32, #tpu.memory_space<hbm>>
        tpu.wait_dma2 semaphore(%arg24 : memref<!tpu.dma_semaphore, #tpu.memory_space<semaphore_mem>>) src(%dma_wait3A_136 : memref<80xi32, #tpu.memory_space<hbm>>) dst(%arg9 : memref<80xi32, #tpu.memory_space<vmem>>)
        %dma_start3A_137 = arith.constant 0 : i32
        %dma_start3A_138 = arith.constant 0 : i32
        %dma_start3A_139 = tpu.memref_slice %arg2[%dma_start3A_137, %dma_start3A_138] : memref<10000x128xf32, #tpu.memory_space<hbm>> -> memref<10000x128xf32, #tpu.memory_space<hbm>>
        tpu.enqueue_indirect_dma source(%dma_start3A_139 : memref<10000x128xf32, #tpu.memory_space<hbm>>) target(%arg16 : memref<80x128xf32, #tpu.memory_space<vmem>>) offsets(%arg8 : memref<80xi32, #tpu.memory_space<vmem>>) semaphore(%arg20 : memref<!tpu.dma_semaphore, #tpu.memory_space<semaphore_mem>>)
      } else {
      }
      %dma_wait3A_84 = arith.constant 0 : i32
      %dma_wait3A_85 = arith.constant 0 : i32
      %dma_wait3A_86 = tpu.memref_slice %arg2[%dma_wait3A_84, %dma_wait3A_85] : memref<10000x128xf32, #tpu.memory_space<hbm>> -> memref<10000x128xf32, #tpu.memory_space<hbm>>
      tpu.wait_indirect_dma semaphore(%arg22 : memref<!tpu.dma_semaphore, #tpu.memory_space<semaphore_mem>>) src(%dma_wait3A_86 : memref<10000x128xf32, #tpu.memory_space<hbm>>) dst(%arg18 : memref<80x128xf32, #tpu.memory_space<vmem>>)
      "tpu.region"() ({
        %run_scoped3A = tpu.sem_alloc : memref<!tpu.dma_semaphore, #tpu.memory_space<semaphore_mem>>
        %dma_start3A_126 = arith.constant 0 : i32
        %dma_start3A_127 = arith.constant 0 : i32
        %dma_start3A_128 = tpu.memref_slice %arg7[%dma_start3A_126, %dma_start3A_127] : memref<10000x128xf32, #tpu.memory_space<vmem_shared>> -> memref<10000x128xf32, #tpu.memory_space<vmem_shared>>
        tpu.enqueue_indirect_dma source(%arg18 : memref<80x128xf32, #tpu.memory_space<vmem>>) target(%dma_start3A_128 : memref<10000x128xf32, #tpu.memory_space<vmem_shared>>) offsets(%arg13 : memref<80xi32, #tpu.memory_space<vmem>>) semaphore(%run_scoped3A : memref<!tpu.dma_semaphore, #tpu.memory_space<semaphore_mem>>) {add = true}
        %dma_wait3A_129 = arith.constant 0 : i32
        %dma_wait3A_130 = arith.constant 0 : i32
        %dma_wait3A_131 = tpu.memref_slice %arg7[%dma_wait3A_129, %dma_wait3A_130] : memref<10000x128xf32, #tpu.memory_space<vmem_shared>> -> memref<10000x128xf32, #tpu.memory_space<vmem_shared>>
        tpu.wait_indirect_dma semaphore(%run_scoped3A : memref<!tpu.dma_semaphore, #tpu.memory_space<semaphore_mem>>) src(%arg18 : memref<80x128xf32, #tpu.memory_space<vmem>>) dst(%dma_wait3A_131 : memref<10000x128xf32, #tpu.memory_space<vmem_shared>>)
        tpu.yield
      }) : () -> ()
      %add3A_87 = arith.constant 2 : i32
      %add3A_88 = arith.addi %mul3A_42, %add3A_87 : i32
      %add3A_89 = arith.constant 4 : i32
      %add3A_90 = arith.addi %add3A_88, %add3A_89 : i32
      %lt3A_91 = arith.constant 125 : i32
      %lt3A_92 = arith.cmpi slt, %add3A_90, %lt3A_91 : i32
      %convert_element_type3A_93 = arith.extui %lt3A_92 : i1 to i32
      %cond3A_94 = arith.constant 0 : i32
      %cond3A_95 = arith.cmpi ne, %convert_element_type3A_93, %cond3A_94 : i32
      scf.if %cond3A_95 {
        %add3A_126 = arith.constant 2 : i32
        %add3A_127 = arith.addi %mul3A_42, %add3A_126 : i32
        %add3A_128 = arith.constant 4 : i32
        %add3A_129 = arith.addi %add3A_127, %add3A_128 : i32
        %mul3A_130 = arith.constant 80 : i32
        %mul3A_131 = arith.muli %add3A_129, %mul3A_130 : i32
        %add3A_132 = arith.addi %mul3A_2, %mul3A_131 : i32
        %dma_start3A_133 = tpu.memref_slice %arg3[%add3A_132] : memref<320000xi32, #tpu.memory_space<hbm>> -> memref<80xi32, #tpu.memory_space<hbm>>
        %dma_start3A_134 = tpu.memref_slice %arg3[%add3A_132] : memref<320000xi32, #tpu.memory_space<hbm>> -> memref<80xi32, #tpu.memory_space<hbm>>
        tpu.enqueue_dma source(%dma_start3A_134 : memref<80xi32, #tpu.memory_space<hbm>>) target(%arg12 : memref<80xi32, #tpu.memory_space<vmem>>) target_semaphore(%arg26 : memref<!tpu.dma_semaphore, #tpu.memory_space<semaphore_mem>>)
        %dma_start3A_135 = tpu.memref_slice %arg4[%add3A_132] : memref<320000xi32, #tpu.memory_space<hbm>> -> memref<80xi32, #tpu.memory_space<hbm>>
        %dma_start3A_136 = tpu.memref_slice %arg4[%add3A_132] : memref<320000xi32, #tpu.memory_space<hbm>> -> memref<80xi32, #tpu.memory_space<hbm>>
        tpu.enqueue_dma source(%dma_start3A_136 : memref<80xi32, #tpu.memory_space<hbm>>) target(%arg13 : memref<80xi32, #tpu.memory_space<vmem>>) target_semaphore(%arg26 : memref<!tpu.dma_semaphore, #tpu.memory_space<semaphore_mem>>)
      } else {
      }
      %add3A_96 = arith.constant 2 : i32
      %add3A_97 = arith.addi %mul3A_42, %add3A_96 : i32
      %add3A_98 = arith.constant 3 : i32
      %add3A_99 = arith.addi %add3A_97, %add3A_98 : i32
      %lt3A_100 = arith.constant 125 : i32
      %lt3A_101 = arith.cmpi slt, %add3A_99, %lt3A_100 : i32
      %convert_element_type3A_102 = arith.extui %lt3A_101 : i1 to i32
      %cond3A_103 = arith.constant 0 : i32
      %cond3A_104 = arith.cmpi ne, %convert_element_type3A_102, %cond3A_103 : i32
      scf.if %cond3A_104 {
        %add3A_126 = arith.constant 2 : i32
        %add3A_127 = arith.addi %mul3A_42, %add3A_126 : i32
        %add3A_128 = arith.constant 3 : i32
        %add3A_129 = arith.addi %add3A_127, %add3A_128 : i32
        %mul3A_130 = arith.constant 80 : i32
        %mul3A_131 = arith.muli %add3A_129, %mul3A_130 : i32
        %add3A_132 = arith.addi %mul3A_2, %mul3A_131 : i32
        %dma_wait3A_133 = tpu.memref_slice %arg3[%add3A_132] : memref<320000xi32, #tpu.memory_space<hbm>> -> memref<80xi32, #tpu.memory_space<hbm>>
        %dma_wait3A_134 = tpu.memref_slice %arg3[%add3A_132] : memref<320000xi32, #tpu.memory_space<hbm>> -> memref<80xi32, #tpu.memory_space<hbm>>
        tpu.wait_dma2 semaphore(%arg25 : memref<!tpu.dma_semaphore, #tpu.memory_space<semaphore_mem>>) src(%dma_wait3A_134 : memref<80xi32, #tpu.memory_space<hbm>>) dst(%arg10 : memref<80xi32, #tpu.memory_space<vmem>>)
        %dma_wait3A_135 = tpu.memref_slice %arg4[%add3A_132] : memref<320000xi32, #tpu.memory_space<hbm>> -> memref<80xi32, #tpu.memory_space<hbm>>
        %dma_wait3A_136 = tpu.memref_slice %arg4[%add3A_132] : memref<320000xi32, #tpu.memory_space<hbm>> -> memref<80xi32, #tpu.memory_space<hbm>>
        tpu.wait_dma2 semaphore(%arg25 : memref<!tpu.dma_semaphore, #tpu.memory_space<semaphore_mem>>) src(%dma_wait3A_136 : memref<80xi32, #tpu.memory_space<hbm>>) dst(%arg11 : memref<80xi32, #tpu.memory_space<vmem>>)
        %dma_start3A_137 = arith.constant 0 : i32
        %dma_start3A_138 = arith.constant 0 : i32
        %dma_start3A_139 = tpu.memref_slice %arg2[%dma_start3A_137, %dma_start3A_138] : memref<10000x128xf32, #tpu.memory_space<hbm>> -> memref<10000x128xf32, #tpu.memory_space<hbm>>
        tpu.enqueue_indirect_dma source(%dma_start3A_139 : memref<10000x128xf32, #tpu.memory_space<hbm>>) target(%arg17 : memref<80x128xf32, #tpu.memory_space<vmem>>) offsets(%arg10 : memref<80xi32, #tpu.memory_space<vmem>>) semaphore(%arg21 : memref<!tpu.dma_semaphore, #tpu.memory_space<semaphore_mem>>)
      } else {
      }
      %dma_wait3A_105 = arith.constant 0 : i32
      %dma_wait3A_106 = arith.constant 0 : i32
      %dma_wait3A_107 = tpu.memref_slice %arg2[%dma_wait3A_105, %dma_wait3A_106] : memref<10000x128xf32, #tpu.memory_space<hbm>> -> memref<10000x128xf32, #tpu.memory_space<hbm>>
      tpu.wait_indirect_dma semaphore(%arg23 : memref<!tpu.dma_semaphore, #tpu.memory_space<semaphore_mem>>) src(%dma_wait3A_107 : memref<10000x128xf32, #tpu.memory_space<hbm>>) dst(%arg19 : memref<80x128xf32, #tpu.memory_space<vmem>>)
      "tpu.region"() ({
        %run_scoped3A = tpu.sem_alloc : memref<!tpu.dma_semaphore, #tpu.memory_space<semaphore_mem>>
        %dma_start3A_126 = arith.constant 0 : i32
        %dma_start3A_127 = arith.constant 0 : i32
        %dma_start3A_128 = tpu.memref_slice %arg7[%dma_start3A_126, %dma_start3A_127] : memref<10000x128xf32, #tpu.memory_space<vmem_shared>> -> memref<10000x128xf32, #tpu.memory_space<vmem_shared>>
        tpu.enqueue_indirect_dma source(%arg19 : memref<80x128xf32, #tpu.memory_space<vmem>>) target(%dma_start3A_128 : memref<10000x128xf32, #tpu.memory_space<vmem_shared>>) offsets(%arg15 : memref<80xi32, #tpu.memory_space<vmem>>) semaphore(%run_scoped3A : memref<!tpu.dma_semaphore, #tpu.memory_space<semaphore_mem>>) {add = true}
        %dma_wait3A_129 = arith.constant 0 : i32
        %dma_wait3A_130 = arith.constant 0 : i32
        %dma_wait3A_131 = tpu.memref_slice %arg7[%dma_wait3A_129, %dma_wait3A_130] : memref<10000x128xf32, #tpu.memory_space<vmem_shared>> -> memref<10000x128xf32, #tpu.memory_space<vmem_shared>>
        tpu.wait_indirect_dma semaphore(%run_scoped3A : memref<!tpu.dma_semaphore, #tpu.memory_space<semaphore_mem>>) src(%arg19 : memref<80x128xf32, #tpu.memory_space<vmem>>) dst(%dma_wait3A_131 : memref<10000x128xf32, #tpu.memory_space<vmem_shared>>)
        tpu.yield
      }) : () -> ()
      %add3A_108 = arith.constant 3 : i32
      %add3A_109 = arith.addi %mul3A_42, %add3A_108 : i32
      %add3A_110 = arith.constant 4 : i32
      %add3A_111 = arith.addi %add3A_109, %add3A_110 : i32
      %lt3A_112 = arith.constant 125 : i32
      %lt3A_113 = arith.cmpi slt, %add3A_111, %lt3A_112 : i32
      %convert_element_type3A_114 = arith.extui %lt3A_113 : i1 to i32
      %cond3A_115 = arith.constant 0 : i32
      %cond3A_116 = arith.cmpi ne, %convert_element_type3A_114, %cond3A_115 : i32
      scf.if %cond3A_116 {
        %add3A_126 = arith.constant 3 : i32
        %add3A_127 = arith.addi %mul3A_42, %add3A_126 : i32
        %add3A_128 = arith.constant 4 : i32
        %add3A_129 = arith.addi %add3A_127, %add3A_128 : i32
        %mul3A_130 = arith.constant 80 : i32
        %mul3A_131 = arith.muli %add3A_129, %mul3A_130 : i32
        %add3A_132 = arith.addi %mul3A_2, %mul3A_131 : i32
        %dma_start3A_133 = tpu.memref_slice %arg3[%add3A_132] : memref<320000xi32, #tpu.memory_space<hbm>> -> memref<80xi32, #tpu.memory_space<hbm>>
        %dma_start3A_134 = tpu.memref_slice %arg3[%add3A_132] : memref<320000xi32, #tpu.memory_space<hbm>> -> memref<80xi32, #tpu.memory_space<hbm>>
        tpu.enqueue_dma source(%dma_start3A_134 : memref<80xi32, #tpu.memory_space<hbm>>) target(%arg14 : memref<80xi32, #tpu.memory_space<vmem>>) target_semaphore(%arg27 : memref<!tpu.dma_semaphore, #tpu.memory_space<semaphore_mem>>)
        %dma_start3A_135 = tpu.memref_slice %arg4[%add3A_132] : memref<320000xi32, #tpu.memory_space<hbm>> -> memref<80xi32, #tpu.memory_space<hbm>>
        %dma_start3A_136 = tpu.memref_slice %arg4[%add3A_132] : memref<320000xi32, #tpu.memory_space<hbm>> -> memref<80xi32, #tpu.memory_space<hbm>>
        tpu.enqueue_dma source(%dma_start3A_136 : memref<80xi32, #tpu.memory_space<hbm>>) target(%arg15 : memref<80xi32, #tpu.memory_space<vmem>>) target_semaphore(%arg27 : memref<!tpu.dma_semaphore, #tpu.memory_space<semaphore_mem>>)
      } else {
      }
      %add3A_117 = arith.constant 3 : i32
      %add3A_118 = arith.addi %mul3A_42, %add3A_117 : i32
      %add3A_119 = arith.constant 3 : i32
      %add3A_120 = arith.addi %add3A_118, %add3A_119 : i32
      %lt3A_121 = arith.constant 125 : i32
      %lt3A_122 = arith.cmpi slt, %add3A_120, %lt3A_121 : i32
      %convert_element_type3A_123 = arith.extui %lt3A_122 : i1 to i32
      %cond3A_124 = arith.constant 0 : i32
      %cond3A_125 = arith.cmpi ne, %convert_element_type3A_123, %cond3A_124 : i32
      scf.if %cond3A_125 {
        %add3A_126 = arith.constant 3 : i32
        %add3A_127 = arith.addi %mul3A_42, %add3A_126 : i32
        %add3A_128 = arith.constant 3 : i32
        %add3A_129 = arith.addi %add3A_127, %add3A_128 : i32
        %mul3A_130 = arith.constant 80 : i32
        %mul3A_131 = arith.muli %add3A_129, %mul3A_130 : i32
        %add3A_132 = arith.addi %mul3A_2, %mul3A_131 : i32
        %dma_wait3A_133 = tpu.memref_slice %arg3[%add3A_132] : memref<320000xi32, #tpu.memory_space<hbm>> -> memref<80xi32, #tpu.memory_space<hbm>>
        %dma_wait3A_134 = tpu.memref_slice %arg3[%add3A_132] : memref<320000xi32, #tpu.memory_space<hbm>> -> memref<80xi32, #tpu.memory_space<hbm>>
        tpu.wait_dma2 semaphore(%arg26 : memref<!tpu.dma_semaphore, #tpu.memory_space<semaphore_mem>>) src(%dma_wait3A_134 : memref<80xi32, #tpu.memory_space<hbm>>) dst(%arg12 : memref<80xi32, #tpu.memory_space<vmem>>)
        %dma_wait3A_135 = tpu.memref_slice %arg4[%add3A_132] : memref<320000xi32, #tpu.memory_space<hbm>> -> memref<80xi32, #tpu.memory_space<hbm>>
        %dma_wait3A_136 = tpu.memref_slice %arg4[%add3A_132] : memref<320000xi32, #tpu.memory_space<hbm>> -> memref<80xi32, #tpu.memory_space<hbm>>
        tpu.wait_dma2 semaphore(%arg26 : memref<!tpu.dma_semaphore, #tpu.memory_space<semaphore_mem>>) src(%dma_wait3A_136 : memref<80xi32, #tpu.memory_space<hbm>>) dst(%arg13 : memref<80xi32, #tpu.memory_space<vmem>>)
        %dma_start3A_137 = arith.constant 0 : i32
        %dma_start3A_138 = arith.constant 0 : i32
        %dma_start3A_139 = tpu.memref_slice %arg2[%dma_start3A_137, %dma_start3A_138] : memref<10000x128xf32, #tpu.memory_space<hbm>> -> memref<10000x128xf32, #tpu.memory_space<hbm>>
        tpu.enqueue_indirect_dma source(%dma_start3A_139 : memref<10000x128xf32, #tpu.memory_space<hbm>>) target(%arg18 : memref<80x128xf32, #tpu.memory_space<vmem>>) offsets(%arg12 : memref<80xi32, #tpu.memory_space<vmem>>) semaphore(%arg22 : memref<!tpu.dma_semaphore, #tpu.memory_space<semaphore_mem>>)
      } else {
      }
    }
    %scan3A_31 = arith.constant 31 : i32
    %dma_wait3A = arith.constant 0 : i32
    %dma_wait3A_32 = arith.constant 0 : i32
    %dma_wait3A_33 = tpu.memref_slice %arg2[%dma_wait3A, %dma_wait3A_32] : memref<10000x128xf32, #tpu.memory_space<hbm>> -> memref<10000x128xf32, #tpu.memory_space<hbm>>
    tpu.wait_indirect_dma semaphore(%arg20 : memref<!tpu.dma_semaphore, #tpu.memory_space<semaphore_mem>>) src(%dma_wait3A_33 : memref<10000x128xf32, #tpu.memory_space<hbm>>) dst(%arg16 : memref<80x128xf32, #tpu.memory_space<vmem>>)
    "tpu.region"() ({
      %run_scoped3A = tpu.sem_alloc : memref<!tpu.dma_semaphore, #tpu.memory_space<semaphore_mem>>
      %dma_start3A_40 = arith.constant 0 : i32
      %dma_start3A_41 = arith.constant 0 : i32
      %dma_start3A_42 = tpu.memref_slice %arg7[%dma_start3A_40, %dma_start3A_41] : memref<10000x128xf32, #tpu.memory_space<vmem_shared>> -> memref<10000x128xf32, #tpu.memory_space<vmem_shared>>
      tpu.enqueue_indirect_dma source(%arg16 : memref<80x128xf32, #tpu.memory_space<vmem>>) target(%dma_start3A_42 : memref<10000x128xf32, #tpu.memory_space<vmem_shared>>) offsets(%arg9 : memref<80xi32, #tpu.memory_space<vmem>>) semaphore(%run_scoped3A : memref<!tpu.dma_semaphore, #tpu.memory_space<semaphore_mem>>) {add = true}
      %dma_wait3A_43 = arith.constant 0 : i32
      %dma_wait3A_44 = arith.constant 0 : i32
      %dma_wait3A_45 = tpu.memref_slice %arg7[%dma_wait3A_43, %dma_wait3A_44] : memref<10000x128xf32, #tpu.memory_space<vmem_shared>> -> memref<10000x128xf32, #tpu.memory_space<vmem_shared>>
      tpu.wait_indirect_dma semaphore(%run_scoped3A : memref<!tpu.dma_semaphore, #tpu.memory_space<semaphore_mem>>) src(%arg16 : memref<80x128xf32, #tpu.memory_space<vmem>>) dst(%dma_wait3A_45 : memref<10000x128xf32, #tpu.memory_space<vmem_shared>>)
      tpu.yield
    }) : () -> ()
    %barrier3A_34 = arith.constant 0 : index
    tpu.barrier barrier_id(%barrier3A_34)
    "tpu.region"() ({
      %run_scoped3A = tpu.sem_alloc : memref<!tpu.dma_semaphore, #tpu.memory_space<semaphore_mem>>
      %dma_start3A_40 = arith.constant 0 : i32
      %dma_start3A_41 = tpu.memref_slice %arg6[%arg0, %mul3A_4, %dma_start3A_40] : memref<2x10000x128xf32, #tpu.memory_space<hbm>> -> memref<1x624x128xf32, #tpu.memory_space<hbm>>
      %dma_start3A_42 = tpu.memref_squeeze %dma_start3A_41 : memref<1x624x128xf32, #tpu.memory_space<hbm>> -> memref<624x128xf32, #tpu.memory_space<hbm>>
      %dma_start3A_43 = arith.constant 0 : i32
      %dma_start3A_44 = tpu.memref_slice %arg7[%mul3A_4, %dma_start3A_43] : memref<10000x128xf32, #tpu.memory_space<vmem_shared>> -> memref<624x128xf32, #tpu.memory_space<vmem_shared>>
      tpu.enqueue_dma source(%dma_start3A_44 : memref<624x128xf32, #tpu.memory_space<vmem_shared>>) target(%dma_start3A_42 : memref<624x128xf32, #tpu.memory_space<hbm>>) target_semaphore(%run_scoped3A : memref<!tpu.dma_semaphore, #tpu.memory_space<semaphore_mem>>)
      %dma_wait3A_45 = arith.constant 0 : i32
      %dma_wait3A_46 = tpu.memref_slice %arg6[%arg0, %mul3A_4, %dma_wait3A_45] : memref<2x10000x128xf32, #tpu.memory_space<hbm>> -> memref<1x624x128xf32, #tpu.memory_space<hbm>>
      %dma_wait3A_47 = tpu.memref_squeeze %dma_wait3A_46 : memref<1x624x128xf32, #tpu.memory_space<hbm>> -> memref<624x128xf32, #tpu.memory_space<hbm>>
      %dma_wait3A_48 = arith.constant 0 : i32
      %dma_wait3A_49 = tpu.memref_slice %arg7[%mul3A_4, %dma_wait3A_48] : memref<10000x128xf32, #tpu.memory_space<vmem_shared>> -> memref<624x128xf32, #tpu.memory_space<vmem_shared>>
      tpu.wait_dma2 semaphore(%run_scoped3A : memref<!tpu.dma_semaphore, #tpu.memory_space<semaphore_mem>>) src(%dma_wait3A_49 : memref<624x128xf32, #tpu.memory_space<vmem_shared>>) dst(%dma_wait3A_47 : memref<624x128xf32, #tpu.memory_space<hbm>>)
      tpu.yield
    }) : () -> ()
    %eq3A_35 = arith.constant 0 : i32
    %eq3A_36 = arith.cmpi eq, %arg1, %eq3A_35 : i32
    %convert_element_type3A_37 = arith.extui %eq3A_36 : i1 to i32
    %cond3A_38 = arith.constant 0 : i32
    %cond3A_39 = arith.cmpi ne, %convert_element_type3A_37, %cond3A_38 : i32
    scf.if %cond3A_39 {
      "tpu.region"() ({
        %run_scoped3A = tpu.sem_alloc : memref<!tpu.dma_semaphore, #tpu.memory_space<semaphore_mem>>
        %dma_start3A_40 = arith.constant 9984 : i32
        %dma_start3A_41 = arith.constant 0 : i32
        %dma_start3A_42 = tpu.memref_slice %arg6[%arg0, %dma_start3A_40, %dma_start3A_41] : memref<2x10000x128xf32, #tpu.memory_space<hbm>> -> memref<1x16x128xf32, #tpu.memory_space<hbm>>
        %dma_start3A_43 = tpu.memref_squeeze %dma_start3A_42 : memref<1x16x128xf32, #tpu.memory_space<hbm>> -> memref<16x128xf32, #tpu.memory_space<hbm>>
        %dma_start3A_44 = arith.constant 9984 : i32
        %dma_start3A_45 = arith.constant 0 : i32
        %dma_start3A_46 = tpu.memref_slice %arg7[%dma_start3A_44, %dma_start3A_45] : memref<10000x128xf32, #tpu.memory_space<vmem_shared>> -> memref<16x128xf32, #tpu.memory_space<vmem_shared>>
        tpu.enqueue_dma source(%dma_start3A_46 : memref<16x128xf32, #tpu.memory_space<vmem_shared>>) target(%dma_start3A_43 : memref<16x128xf32, #tpu.memory_space<hbm>>) target_semaphore(%run_scoped3A : memref<!tpu.dma_semaphore, #tpu.memory_space<semaphore_mem>>)
        %dma_wait3A_47 = arith.constant 9984 : i32
        %dma_wait3A_48 = arith.constant 0 : i32
        %dma_wait3A_49 = tpu.memref_slice %arg6[%arg0, %dma_wait3A_47, %dma_wait3A_48] : memref<2x10000x128xf32, #tpu.memory_space<hbm>> -> memref<1x16x128xf32, #tpu.memory_space<hbm>>
        %dma_wait3A_50 = tpu.memref_squeeze %dma_wait3A_49 : memref<1x16x128xf32, #tpu.memory_space<hbm>> -> memref<16x128xf32, #tpu.memory_space<hbm>>
        %dma_wait3A_51 = arith.constant 9984 : i32
        %dma_wait3A_52 = arith.constant 0 : i32
        %dma_wait3A_53 = tpu.memref_slice %arg7[%dma_wait3A_51, %dma_wait3A_52] : memref<10000x128xf32, #tpu.memory_space<vmem_shared>> -> memref<16x128xf32, #tpu.memory_space<vmem_shared>>
        tpu.wait_dma2 semaphore(%run_scoped3A : memref<!tpu.dma_semaphore, #tpu.memory_space<semaphore_mem>>) src(%dma_wait3A_53 : memref<16x128xf32, #tpu.memory_space<vmem_shared>>) dst(%dma_wait3A_50 : memref<16x128xf32, #tpu.memory_space<hbm>>)
        tpu.yield
      }) : () -> ()
    } else {
    }
    return
  }
}

#map = affine_map<(d0, d1) -> (0, 0)>
#map1 = affine_map<(d0, d1) -> (0)>
#map2 = affine_map<(d0, d1) -> (0, 0, 0)>
module attributes {stable_mosaic.version = 14 : i64} {
  func.func @_seg_body(%arg0: i32, %arg1: i32, %arg2: memref<10000x128xf32, #tpu.memory_space<hbm>>, %arg3: memref<320000xi32, #tpu.memory_space<hbm>>, %arg4: memref<320000xi32, #tpu.memory_space<hbm>>, %arg5: memref<624x128xf32, #tpu.memory_space<hbm>>, %arg6: memref<2x10000x128xf32, #tpu.memory_space<hbm>>, %arg7: memref<10000x128xf32, #tpu.memory_space<vmem_shared>>, %arg8: memref<80xi32, #tpu.memory_space<vmem>>, %arg9: memref<80xi32, #tpu.memory_space<vmem>>, %arg10: memref<80xi32, #tpu.memory_space<vmem>>, %arg11: memref<80xi32, #tpu.memory_space<vmem>>, %arg12: memref<80xi32, #tpu.memory_space<vmem>>, %arg13: memref<80xi32, #tpu.memory_space<vmem>>, %arg14: memref<80xi32, #tpu.memory_space<vmem>>, %arg15: memref<80xi32, #tpu.memory_space<vmem>>, %arg16: memref<80x128xf32, #tpu.memory_space<vmem>>, %arg17: memref<80x128xf32, #tpu.memory_space<vmem>>, %arg18: memref<80x128xf32, #tpu.memory_space<vmem>>, %arg19: memref<80x128xf32, #tpu.memory_space<vmem>>, %arg20: memref<!tpu.dma_semaphore, #tpu.memory_space<semaphore_mem>>, %arg21: memref<!tpu.dma_semaphore, #tpu.memory_space<semaphore_mem>>, %arg22: memref<!tpu.dma_semaphore, #tpu.memory_space<semaphore_mem>>, %arg23: memref<!tpu.dma_semaphore, #tpu.memory_space<semaphore_mem>>, %arg24: memref<!tpu.dma_semaphore, #tpu.memory_space<semaphore_mem>>, %arg25: memref<!tpu.dma_semaphore, #tpu.memory_space<semaphore_mem>>, %arg26: memref<!tpu.dma_semaphore, #tpu.memory_space<semaphore_mem>>, %arg27: memref<!tpu.dma_semaphore, #tpu.memory_space<semaphore_mem>>) attributes {dimension_semantics = [#tpu.dimension_semantics<core_parallel>, #tpu.dimension_semantics<subcore_parallel>], iteration_bounds = array<i64: 2, 16>, scalar_prefetch = 0 : i64, scratch_operands = 21 : i64, tpu.core_type = #tpu.core_type<sc_vector_subcore>, window_params = [{transform_indices = #map}, {transform_indices = #map1}, {transform_indices = #map1}, {transform_indices = #map}, {transform_indices = #map2}]} {
    %mul3A = arith.constant 2 : i32
    %mul3A_0 = arith.muli %arg1, %mul3A : i32
    %add3A = arith.addi %mul3A_0, %arg0 : i32
    %mul3A_1 = arith.constant 10000 : i32
    %mul3A_2 = arith.muli %add3A, %mul3A_1 : i32
    %mul3A_3 = arith.constant 624 : i32
    %mul3A_4 = arith.muli %arg1, %mul3A_3 : i32
    "tpu.region"() ({
      %run_scoped3A = tpu.sem_alloc : memref<!tpu.dma_semaphore, #tpu.memory_space<semaphore_mem>>
      %dma_start3A_40 = arith.constant 0 : i32
      %dma_start3A_41 = tpu.memref_slice %arg7[%mul3A_4, %dma_start3A_40] : memref<10000x128xf32, #tpu.memory_space<vmem_shared>> -> memref<624x128xf32, #tpu.memory_space<vmem_shared>>
      %dma_start3A_42 = arith.constant 0 : i32
      %dma_start3A_43 = arith.constant 0 : i32
      %dma_start3A_44 = tpu.memref_slice %arg5[%dma_start3A_42, %dma_start3A_43] : memref<624x128xf32, #tpu.memory_space<hbm>> -> memref<624x128xf32, #tpu.memory_space<hbm>>
      tpu.enqueue_dma source(%dma_start3A_44 : memref<624x128xf32, #tpu.memory_space<hbm>>) target(%dma_start3A_41 : memref<624x128xf32, #tpu.memory_space<vmem_shared>>) target_semaphore(%run_scoped3A : memref<!tpu.dma_semaphore, #tpu.memory_space<semaphore_mem>>)
      %dma_wait3A_45 = arith.constant 0 : i32
      %dma_wait3A_46 = tpu.memref_slice %arg7[%mul3A_4, %dma_wait3A_45] : memref<10000x128xf32, #tpu.memory_space<vmem_shared>> -> memref<624x128xf32, #tpu.memory_space<vmem_shared>>
      %dma_wait3A_47 = arith.constant 0 : i32
      %dma_wait3A_48 = arith.constant 0 : i32
      %dma_wait3A_49 = tpu.memref_slice %arg5[%dma_wait3A_47, %dma_wait3A_48] : memref<624x128xf32, #tpu.memory_space<hbm>> -> memref<624x128xf32, #tpu.memory_space<hbm>>
      tpu.wait_dma2 semaphore(%run_scoped3A : memref<!tpu.dma_semaphore, #tpu.memory_space<semaphore_mem>>) src(%dma_wait3A_49 : memref<624x128xf32, #tpu.memory_space<hbm>>) dst(%dma_wait3A_46 : memref<624x128xf32, #tpu.memory_space<vmem_shared>>)
      tpu.yield
    }) : () -> ()
    %eq3A = arith.constant 0 : i32
    %eq3A_5 = arith.cmpi eq, %arg1, %eq3A : i32
    %convert_element_type3A = arith.extui %eq3A_5 : i1 to i32
    %cond3A = arith.constant 0 : i32
    %cond3A_6 = arith.cmpi ne, %convert_element_type3A, %cond3A : i32
    scf.if %cond3A_6 {
      "tpu.region"() ({
        %run_scoped3A = tpu.sem_alloc : memref<!tpu.dma_semaphore, #tpu.memory_space<semaphore_mem>>
        %dma_start3A_40 = arith.constant 9984 : i32
        %dma_start3A_41 = arith.constant 0 : i32
        %dma_start3A_42 = tpu.memref_slice %arg7[%dma_start3A_40, %dma_start3A_41] : memref<10000x128xf32, #tpu.memory_space<vmem_shared>> -> memref<16x128xf32, #tpu.memory_space<vmem_shared>>
        %dma_start3A_43 = arith.constant 0 : i32
        %dma_start3A_44 = arith.constant 0 : i32
        %dma_start3A_45 = tpu.memref_slice %arg5[%dma_start3A_43, %dma_start3A_44] : memref<624x128xf32, #tpu.memory_space<hbm>> -> memref<16x128xf32, #tpu.memory_space<hbm>>
        tpu.enqueue_dma source(%dma_start3A_45 : memref<16x128xf32, #tpu.memory_space<hbm>>) target(%dma_start3A_42 : memref<16x128xf32, #tpu.memory_space<vmem_shared>>) target_semaphore(%run_scoped3A : memref<!tpu.dma_semaphore, #tpu.memory_space<semaphore_mem>>)
        %dma_wait3A_46 = arith.constant 9984 : i32
        %dma_wait3A_47 = arith.constant 0 : i32
        %dma_wait3A_48 = tpu.memref_slice %arg7[%dma_wait3A_46, %dma_wait3A_47] : memref<10000x128xf32, #tpu.memory_space<vmem_shared>> -> memref<16x128xf32, #tpu.memory_space<vmem_shared>>
        %dma_wait3A_49 = arith.constant 0 : i32
        %dma_wait3A_50 = arith.constant 0 : i32
        %dma_wait3A_51 = tpu.memref_slice %arg5[%dma_wait3A_49, %dma_wait3A_50] : memref<624x128xf32, #tpu.memory_space<hbm>> -> memref<16x128xf32, #tpu.memory_space<hbm>>
        tpu.wait_dma2 semaphore(%run_scoped3A : memref<!tpu.dma_semaphore, #tpu.memory_space<semaphore_mem>>) src(%dma_wait3A_51 : memref<16x128xf32, #tpu.memory_space<hbm>>) dst(%dma_wait3A_48 : memref<16x128xf32, #tpu.memory_space<vmem_shared>>)
        tpu.yield
      }) : () -> ()
    } else {
    }
    %barrier3A = arith.constant 0 : index
    tpu.barrier barrier_id(%barrier3A)
    %add3A_7 = arith.constant 0 : i32
    %add3A_8 = arith.addi %mul3A_2, %add3A_7 : i32
    "tpu.region"() ({
      %run_scoped3A = tpu.sem_alloc : memref<!tpu.dma_semaphore, #tpu.memory_space<semaphore_mem>>
      %dma_start3A_40 = tpu.memref_slice %arg3[%add3A_8] : memref<320000xi32, #tpu.memory_space<hbm>> -> memref<80xi32, #tpu.memory_space<hbm>>
      %dma_start3A_41 = tpu.memref_slice %arg3[%add3A_8] : memref<320000xi32, #tpu.memory_space<hbm>> -> memref<80xi32, #tpu.memory_space<hbm>>
      tpu.enqueue_dma source(%dma_start3A_41 : memref<80xi32, #tpu.memory_space<hbm>>) target(%arg8 : memref<80xi32, #tpu.memory_space<vmem>>) target_semaphore(%run_scoped3A : memref<!tpu.dma_semaphore, #tpu.memory_space<semaphore_mem>>)
      %dma_wait3A_42 = tpu.memref_slice %arg3[%add3A_8] : memref<320000xi32, #tpu.memory_space<hbm>> -> memref<80xi32, #tpu.memory_space<hbm>>
      %dma_wait3A_43 = tpu.memref_slice %arg3[%add3A_8] : memref<320000xi32, #tpu.memory_space<hbm>> -> memref<80xi32, #tpu.memory_space<hbm>>
      tpu.wait_dma2 semaphore(%run_scoped3A : memref<!tpu.dma_semaphore, #tpu.memory_space<semaphore_mem>>) src(%dma_wait3A_43 : memref<80xi32, #tpu.memory_space<hbm>>) dst(%arg8 : memref<80xi32, #tpu.memory_space<vmem>>)
      tpu.yield
    }) : () -> ()
    "tpu.region"() ({
      %run_scoped3A = tpu.sem_alloc : memref<!tpu.dma_semaphore, #tpu.memory_space<semaphore_mem>>
      %dma_start3A_40 = tpu.memref_slice %arg4[%add3A_8] : memref<320000xi32, #tpu.memory_space<hbm>> -> memref<80xi32, #tpu.memory_space<hbm>>
      %dma_start3A_41 = tpu.memref_slice %arg4[%add3A_8] : memref<320000xi32, #tpu.memory_space<hbm>> -> memref<80xi32, #tpu.memory_space<hbm>>
      tpu.enqueue_dma source(%dma_start3A_41 : memref<80xi32, #tpu.memory_space<hbm>>) target(%arg9 : memref<80xi32, #tpu.memory_space<vmem>>) target_semaphore(%run_scoped3A : memref<!tpu.dma_semaphore, #tpu.memory_space<semaphore_mem>>)
      %dma_wait3A_42 = tpu.memref_slice %arg4[%add3A_8] : memref<320000xi32, #tpu.memory_space<hbm>> -> memref<80xi32, #tpu.memory_space<hbm>>
      %dma_wait3A_43 = tpu.memref_slice %arg4[%add3A_8] : memref<320000xi32, #tpu.memory_space<hbm>> -> memref<80xi32, #tpu.memory_space<hbm>>
      tpu.wait_dma2 semaphore(%run_scoped3A : memref<!tpu.dma_semaphore, #tpu.memory_space<semaphore_mem>>) src(%dma_wait3A_43 : memref<80xi32, #tpu.memory_space<hbm>>) dst(%arg9 : memref<80xi32, #tpu.memory_space<vmem>>)
      tpu.yield
    }) : () -> ()
    %add3A_9 = arith.constant 80 : i32
    %add3A_10 = arith.addi %mul3A_2, %add3A_9 : i32
    "tpu.region"() ({
      %run_scoped3A = tpu.sem_alloc : memref<!tpu.dma_semaphore, #tpu.memory_space<semaphore_mem>>
      %dma_start3A_40 = tpu.memref_slice %arg3[%add3A_10] : memref<320000xi32, #tpu.memory_space<hbm>> -> memref<80xi32, #tpu.memory_space<hbm>>
      %dma_start3A_41 = tpu.memref_slice %arg3[%add3A_10] : memref<320000xi32, #tpu.memory_space<hbm>> -> memref<80xi32, #tpu.memory_space<hbm>>
      tpu.enqueue_dma source(%dma_start3A_41 : memref<80xi32, #tpu.memory_space<hbm>>) target(%arg10 : memref<80xi32, #tpu.memory_space<vmem>>) target_semaphore(%run_scoped3A : memref<!tpu.dma_semaphore, #tpu.memory_space<semaphore_mem>>)
      %dma_wait3A_42 = tpu.memref_slice %arg3[%add3A_10] : memref<320000xi32, #tpu.memory_space<hbm>> -> memref<80xi32, #tpu.memory_space<hbm>>
      %dma_wait3A_43 = tpu.memref_slice %arg3[%add3A_10] : memref<320000xi32, #tpu.memory_space<hbm>> -> memref<80xi32, #tpu.memory_space<hbm>>
      tpu.wait_dma2 semaphore(%run_scoped3A : memref<!tpu.dma_semaphore, #tpu.memory_space<semaphore_mem>>) src(%dma_wait3A_43 : memref<80xi32, #tpu.memory_space<hbm>>) dst(%arg10 : memref<80xi32, #tpu.memory_space<vmem>>)
      tpu.yield
    }) : () -> ()
    "tpu.region"() ({
      %run_scoped3A = tpu.sem_alloc : memref<!tpu.dma_semaphore, #tpu.memory_space<semaphore_mem>>
      %dma_start3A_40 = tpu.memref_slice %arg4[%add3A_10] : memref<320000xi32, #tpu.memory_space<hbm>> -> memref<80xi32, #tpu.memory_space<hbm>>
      %dma_start3A_41 = tpu.memref_slice %arg4[%add3A_10] : memref<320000xi32, #tpu.memory_space<hbm>> -> memref<80xi32, #tpu.memory_space<hbm>>
      tpu.enqueue_dma source(%dma_start3A_41 : memref<80xi32, #tpu.memory_space<hbm>>) target(%arg11 : memref<80xi32, #tpu.memory_space<vmem>>) target_semaphore(%run_scoped3A : memref<!tpu.dma_semaphore, #tpu.memory_space<semaphore_mem>>)
      %dma_wait3A_42 = tpu.memref_slice %arg4[%add3A_10] : memref<320000xi32, #tpu.memory_space<hbm>> -> memref<80xi32, #tpu.memory_space<hbm>>
      %dma_wait3A_43 = tpu.memref_slice %arg4[%add3A_10] : memref<320000xi32, #tpu.memory_space<hbm>> -> memref<80xi32, #tpu.memory_space<hbm>>
      tpu.wait_dma2 semaphore(%run_scoped3A : memref<!tpu.dma_semaphore, #tpu.memory_space<semaphore_mem>>) src(%dma_wait3A_43 : memref<80xi32, #tpu.memory_space<hbm>>) dst(%arg11 : memref<80xi32, #tpu.memory_space<vmem>>)
      tpu.yield
    }) : () -> ()
    %add3A_11 = arith.constant 160 : i32
    %add3A_12 = arith.addi %mul3A_2, %add3A_11 : i32
    "tpu.region"() ({
      %run_scoped3A = tpu.sem_alloc : memref<!tpu.dma_semaphore, #tpu.memory_space<semaphore_mem>>
      %dma_start3A_40 = tpu.memref_slice %arg3[%add3A_12] : memref<320000xi32, #tpu.memory_space<hbm>> -> memref<80xi32, #tpu.memory_space<hbm>>
      %dma_start3A_41 = tpu.memref_slice %arg3[%add3A_12] : memref<320000xi32, #tpu.memory_space<hbm>> -> memref<80xi32, #tpu.memory_space<hbm>>
      tpu.enqueue_dma source(%dma_start3A_41 : memref<80xi32, #tpu.memory_space<hbm>>) target(%arg12 : memref<80xi32, #tpu.memory_space<vmem>>) target_semaphore(%run_scoped3A : memref<!tpu.dma_semaphore, #tpu.memory_space<semaphore_mem>>)
      %dma_wait3A_42 = tpu.memref_slice %arg3[%add3A_12] : memref<320000xi32, #tpu.memory_space<hbm>> -> memref<80xi32, #tpu.memory_space<hbm>>
      %dma_wait3A_43 = tpu.memref_slice %arg3[%add3A_12] : memref<320000xi32, #tpu.memory_space<hbm>> -> memref<80xi32, #tpu.memory_space<hbm>>
      tpu.wait_dma2 semaphore(%run_scoped3A : memref<!tpu.dma_semaphore, #tpu.memory_space<semaphore_mem>>) src(%dma_wait3A_43 : memref<80xi32, #tpu.memory_space<hbm>>) dst(%arg12 : memref<80xi32, #tpu.memory_space<vmem>>)
      tpu.yield
    }) : () -> ()
    "tpu.region"() ({
      %run_scoped3A = tpu.sem_alloc : memref<!tpu.dma_semaphore, #tpu.memory_space<semaphore_mem>>
      %dma_start3A_40 = tpu.memref_slice %arg4[%add3A_12] : memref<320000xi32, #tpu.memory_space<hbm>> -> memref<80xi32, #tpu.memory_space<hbm>>
      %dma_start3A_41 = tpu.memref_slice %arg4[%add3A_12] : memref<320000xi32, #tpu.memory_space<hbm>> -> memref<80xi32, #tpu.memory_space<hbm>>
      tpu.enqueue_dma source(%dma_start3A_41 : memref<80xi32, #tpu.memory_space<hbm>>) target(%arg13 : memref<80xi32, #tpu.memory_space<vmem>>) target_semaphore(%run_scoped3A : memref<!tpu.dma_semaphore, #tpu.memory_space<semaphore_mem>>)
      %dma_wait3A_42 = tpu.memref_slice %arg4[%add3A_12] : memref<320000xi32, #tpu.memory_space<hbm>> -> memref<80xi32, #tpu.memory_space<hbm>>
      %dma_wait3A_43 = tpu.memref_slice %arg4[%add3A_12] : memref<320000xi32, #tpu.memory_space<hbm>> -> memref<80xi32, #tpu.memory_space<hbm>>
      tpu.wait_dma2 semaphore(%run_scoped3A : memref<!tpu.dma_semaphore, #tpu.memory_space<semaphore_mem>>) src(%dma_wait3A_43 : memref<80xi32, #tpu.memory_space<hbm>>) dst(%arg13 : memref<80xi32, #tpu.memory_space<vmem>>)
      tpu.yield
    }) : () -> ()
    %add3A_13 = arith.constant 240 : i32
    %add3A_14 = arith.addi %mul3A_2, %add3A_13 : i32
    %dma_start3A = tpu.memref_slice %arg3[%add3A_14] : memref<320000xi32, #tpu.memory_space<hbm>> -> memref<80xi32, #tpu.memory_space<hbm>>
    %dma_start3A_15 = tpu.memref_slice %arg3[%add3A_14] : memref<320000xi32, #tpu.memory_space<hbm>> -> memref<80xi32, #tpu.memory_space<hbm>>
    tpu.enqueue_dma source(%dma_start3A_15 : memref<80xi32, #tpu.memory_space<hbm>>) target(%arg14 : memref<80xi32, #tpu.memory_space<vmem>>) target_semaphore(%arg27 : memref<!tpu.dma_semaphore, #tpu.memory_space<semaphore_mem>>)
    %dma_start3A_16 = tpu.memref_slice %arg4[%add3A_14] : memref<320000xi32, #tpu.memory_space<hbm>> -> memref<80xi32, #tpu.memory_space<hbm>>
    %dma_start3A_17 = tpu.memref_slice %arg4[%add3A_14] : memref<320000xi32, #tpu.memory_space<hbm>> -> memref<80xi32, #tpu.memory_space<hbm>>
    tpu.enqueue_dma source(%dma_start3A_17 : memref<80xi32, #tpu.memory_space<hbm>>) target(%arg15 : memref<80xi32, #tpu.memory_space<vmem>>) target_semaphore(%arg27 : memref<!tpu.dma_semaphore, #tpu.memory_space<semaphore_mem>>)
    %dma_start3A_18 = arith.constant 0 : i32
    %dma_start3A_19 = arith.constant 0 : i32
    %dma_start3A_20 = tpu.memref_slice %arg2[%dma_start3A_18, %dma_start3A_19] : memref<10000x128xf32, #tpu.memory_space<hbm>> -> memref<10000x128xf32, #tpu.memory_space<hbm>>
    tpu.enqueue_indirect_dma source(%dma_start3A_20 : memref<10000x128xf32, #tpu.memory_space<hbm>>) target(%arg16 : memref<80x128xf32, #tpu.memory_space<vmem>>) offsets(%arg8 : memref<80xi32, #tpu.memory_space<vmem>>) semaphore(%arg20 : memref<!tpu.dma_semaphore, #tpu.memory_space<semaphore_mem>>)
    %dma_start3A_21 = arith.constant 0 : i32
    %dma_start3A_22 = arith.constant 0 : i32
    %dma_start3A_23 = tpu.memref_slice %arg2[%dma_start3A_21, %dma_start3A_22] : memref<10000x128xf32, #tpu.memory_space<hbm>> -> memref<10000x128xf32, #tpu.memory_space<hbm>>
    tpu.enqueue_indirect_dma source(%dma_start3A_23 : memref<10000x128xf32, #tpu.memory_space<hbm>>) target(%arg17 : memref<80x128xf32, #tpu.memory_space<vmem>>) offsets(%arg10 : memref<80xi32, #tpu.memory_space<vmem>>) semaphore(%arg21 : memref<!tpu.dma_semaphore, #tpu.memory_space<semaphore_mem>>)
    %dma_start3A_24 = arith.constant 0 : i32
    %dma_start3A_25 = arith.constant 0 : i32
    %dma_start3A_26 = tpu.memref_slice %arg2[%dma_start3A_24, %dma_start3A_25] : memref<10000x128xf32, #tpu.memory_space<hbm>> -> memref<10000x128xf32, #tpu.memory_space<hbm>>
    tpu.enqueue_indirect_dma source(%dma_start3A_26 : memref<10000x128xf32, #tpu.memory_space<hbm>>) target(%arg18 : memref<80x128xf32, #tpu.memory_space<vmem>>) offsets(%arg12 : memref<80xi32, #tpu.memory_space<vmem>>) semaphore(%arg22 : memref<!tpu.dma_semaphore, #tpu.memory_space<semaphore_mem>>)
    %scan3A = arith.constant 0 : i32
    %scan3A_27 = arith.constant 0 : i32
    %scan3A_28 = arith.constant 31 : i32
    %scan3A_29 = arith.addi %scan3A_27, %scan3A_28 : i32
    %scan3A_30 = arith.constant 1 : i32
    scf.for %scan3A_40 = %scan3A_27 to %scan3A_29 step %scan3A_30  : i32 {
      %mul3A_41 = arith.constant 4 : i32
      %mul3A_42 = arith.muli %mul3A_41, %scan3A_40 : i32
      %dma_wait3A_43 = arith.constant 0 : i32
      %dma_wait3A_44 = arith.constant 0 : i32
      %dma_wait3A_45 = tpu.memref_slice %arg2[%dma_wait3A_43, %dma_wait3A_44] : memref<10000x128xf32, #tpu.memory_space<hbm>> -> memref<10000x128xf32, #tpu.memory_space<hbm>>
      tpu.wait_indirect_dma semaphore(%arg20 : memref<!tpu.dma_semaphore, #tpu.memory_space<semaphore_mem>>) src(%dma_wait3A_45 : memref<10000x128xf32, #tpu.memory_space<hbm>>) dst(%arg16 : memref<80x128xf32, #tpu.memory_space<vmem>>)
      "tpu.region"() ({
        %run_scoped3A = tpu.sem_alloc : memref<!tpu.dma_semaphore, #tpu.memory_space<semaphore_mem>>
        %dma_start3A_126 = arith.constant 0 : i32
        %dma_start3A_127 = arith.constant 0 : i32
        %dma_start3A_128 = tpu.memref_slice %arg7[%dma_start3A_126, %dma_start3A_127] : memref<10000x128xf32, #tpu.memory_space<vmem_shared>> -> memref<10000x128xf32, #tpu.memory_space<vmem_shared>>
        tpu.enqueue_indirect_dma source(%arg16 : memref<80x128xf32, #tpu.memory_space<vmem>>) target(%dma_start3A_128 : memref<10000x128xf32, #tpu.memory_space<vmem_shared>>) offsets(%arg9 : memref<80xi32, #tpu.memory_space<vmem>>) semaphore(%run_scoped3A : memref<!tpu.dma_semaphore, #tpu.memory_space<semaphore_mem>>) {add = true}
        %dma_wait3A_129 = arith.constant 0 : i32
        %dma_wait3A_130 = arith.constant 0 : i32
        %dma_wait3A_131 = tpu.memref_slice %arg7[%dma_wait3A_129, %dma_wait3A_130] : memref<10000x128xf32, #tpu.memory_space<vmem_shared>> -> memref<10000x128xf32, #tpu.memory_space<vmem_shared>>
        tpu.wait_indirect_dma semaphore(%run_scoped3A : memref<!tpu.dma_semaphore, #tpu.memory_space<semaphore_mem>>) src(%arg16 : memref<80x128xf32, #tpu.memory_space<vmem>>) dst(%dma_wait3A_131 : memref<10000x128xf32, #tpu.memory_space<vmem_shared>>)
        tpu.yield
      }) : () -> ()
      %add3A_46 = arith.constant 0 : i32
      %add3A_47 = arith.addi %mul3A_42, %add3A_46 : i32
      %add3A_48 = arith.constant 4 : i32
      %add3A_49 = arith.addi %add3A_47, %add3A_48 : i32
      %lt3A = arith.constant 125 : i32
      %lt3A_50 = arith.cmpi slt, %add3A_49, %lt3A : i32
      %convert_element_type3A_51 = arith.extui %lt3A_50 : i1 to i32
      %cond3A_52 = arith.constant 0 : i32
      %cond3A_53 = arith.cmpi ne, %convert_element_type3A_51, %cond3A_52 : i32
      scf.if %cond3A_53 {
        %add3A_126 = arith.constant 0 : i32
        %add3A_127 = arith.addi %mul3A_42, %add3A_126 : i32
        %add3A_128 = arith.constant 4 : i32
        %add3A_129 = arith.addi %add3A_127, %add3A_128 : i32
        %mul3A_130 = arith.constant 80 : i32
        %mul3A_131 = arith.muli %add3A_129, %mul3A_130 : i32
        %add3A_132 = arith.addi %mul3A_2, %mul3A_131 : i32
        %dma_start3A_133 = tpu.memref_slice %arg3[%add3A_132] : memref<320000xi32, #tpu.memory_space<hbm>> -> memref<80xi32, #tpu.memory_space<hbm>>
        %dma_start3A_134 = tpu.memref_slice %arg3[%add3A_132] : memref<320000xi32, #tpu.memory_space<hbm>> -> memref<80xi32, #tpu.memory_space<hbm>>
        tpu.enqueue_dma source(%dma_start3A_134 : memref<80xi32, #tpu.memory_space<hbm>>) target(%arg8 : memref<80xi32, #tpu.memory_space<vmem>>) target_semaphore(%arg24 : memref<!tpu.dma_semaphore, #tpu.memory_space<semaphore_mem>>)
        %dma_start3A_135 = tpu.memref_slice %arg4[%add3A_132] : memref<320000xi32, #tpu.memory_space<hbm>> -> memref<80xi32, #tpu.memory_space<hbm>>
        %dma_start3A_136 = tpu.memref_slice %arg4[%add3A_132] : memref<320000xi32, #tpu.memory_space<hbm>> -> memref<80xi32, #tpu.memory_space<hbm>>
        tpu.enqueue_dma source(%dma_start3A_136 : memref<80xi32, #tpu.memory_space<hbm>>) target(%arg9 : memref<80xi32, #tpu.memory_space<vmem>>) target_semaphore(%arg24 : memref<!tpu.dma_semaphore, #tpu.memory_space<semaphore_mem>>)
      } else {
      }
      %add3A_54 = arith.constant 0 : i32
      %add3A_55 = arith.addi %mul3A_42, %add3A_54 : i32
      %add3A_56 = arith.constant 3 : i32
      %add3A_57 = arith.addi %add3A_55, %add3A_56 : i32
      %lt3A_58 = arith.constant 125 : i32
      %lt3A_59 = arith.cmpi slt, %add3A_57, %lt3A_58 : i32
      %convert_element_type3A_60 = arith.extui %lt3A_59 : i1 to i32
      %cond3A_61 = arith.constant 0 : i32
      %cond3A_62 = arith.cmpi ne, %convert_element_type3A_60, %cond3A_61 : i32
      scf.if %cond3A_62 {
        %add3A_126 = arith.constant 0 : i32
        %add3A_127 = arith.addi %mul3A_42, %add3A_126 : i32
        %add3A_128 = arith.constant 3 : i32
        %add3A_129 = arith.addi %add3A_127, %add3A_128 : i32
        %mul3A_130 = arith.constant 80 : i32
        %mul3A_131 = arith.muli %add3A_129, %mul3A_130 : i32
        %add3A_132 = arith.addi %mul3A_2, %mul3A_131 : i32
        %dma_wait3A_133 = tpu.memref_slice %arg3[%add3A_132] : memref<320000xi32, #tpu.memory_space<hbm>> -> memref<80xi32, #tpu.memory_space<hbm>>
        %dma_wait3A_134 = tpu.memref_slice %arg3[%add3A_132] : memref<320000xi32, #tpu.memory_space<hbm>> -> memref<80xi32, #tpu.memory_space<hbm>>
        tpu.wait_dma2 semaphore(%arg27 : memref<!tpu.dma_semaphore, #tpu.memory_space<semaphore_mem>>) src(%dma_wait3A_134 : memref<80xi32, #tpu.memory_space<hbm>>) dst(%arg14 : memref<80xi32, #tpu.memory_space<vmem>>)
        %dma_wait3A_135 = tpu.memref_slice %arg4[%add3A_132] : memref<320000xi32, #tpu.memory_space<hbm>> -> memref<80xi32, #tpu.memory_space<hbm>>
        %dma_wait3A_136 = tpu.memref_slice %arg4[%add3A_132] : memref<320000xi32, #tpu.memory_space<hbm>> -> memref<80xi32, #tpu.memory_space<hbm>>
        tpu.wait_dma2 semaphore(%arg27 : memref<!tpu.dma_semaphore, #tpu.memory_space<semaphore_mem>>) src(%dma_wait3A_136 : memref<80xi32, #tpu.memory_space<hbm>>) dst(%arg15 : memref<80xi32, #tpu.memory_space<vmem>>)
        %dma_start3A_137 = arith.constant 0 : i32
        %dma_start3A_138 = arith.constant 0 : i32
        %dma_start3A_139 = tpu.memref_slice %arg2[%dma_start3A_137, %dma_start3A_138] : memref<10000x128xf32, #tpu.memory_space<hbm>> -> memref<10000x128xf32, #tpu.memory_space<hbm>>
        tpu.enqueue_indirect_dma source(%dma_start3A_139 : memref<10000x128xf32, #tpu.memory_space<hbm>>) target(%arg19 : memref<80x128xf32, #tpu.memory_space<vmem>>) offsets(%arg14 : memref<80xi32, #tpu.memory_space<vmem>>) semaphore(%arg23 : memref<!tpu.dma_semaphore, #tpu.memory_space<semaphore_mem>>)
      } else {
      }
      %dma_wait3A_63 = arith.constant 0 : i32
      %dma_wait3A_64 = arith.constant 0 : i32
      %dma_wait3A_65 = tpu.memref_slice %arg2[%dma_wait3A_63, %dma_wait3A_64] : memref<10000x128xf32, #tpu.memory_space<hbm>> -> memref<10000x128xf32, #tpu.memory_space<hbm>>
      tpu.wait_indirect_dma semaphore(%arg21 : memref<!tpu.dma_semaphore, #tpu.memory_space<semaphore_mem>>) src(%dma_wait3A_65 : memref<10000x128xf32, #tpu.memory_space<hbm>>) dst(%arg17 : memref<80x128xf32, #tpu.memory_space<vmem>>)
      "tpu.region"() ({
        %run_scoped3A = tpu.sem_alloc : memref<!tpu.dma_semaphore, #tpu.memory_space<semaphore_mem>>
        %dma_start3A_126 = arith.constant 0 : i32
        %dma_start3A_127 = arith.constant 0 : i32
        %dma_start3A_128 = tpu.memref_slice %arg7[%dma_start3A_126, %dma_start3A_127] : memref<10000x128xf32, #tpu.memory_space<vmem_shared>> -> memref<10000x128xf32, #tpu.memory_space<vmem_shared>>
        tpu.enqueue_indirect_dma source(%arg17 : memref<80x128xf32, #tpu.memory_space<vmem>>) target(%dma_start3A_128 : memref<10000x128xf32, #tpu.memory_space<vmem_shared>>) offsets(%arg11 : memref<80xi32, #tpu.memory_space<vmem>>) semaphore(%run_scoped3A : memref<!tpu.dma_semaphore, #tpu.memory_space<semaphore_mem>>) {add = true}
        %dma_wait3A_129 = arith.constant 0 : i32
        %dma_wait3A_130 = arith.constant 0 : i32
        %dma_wait3A_131 = tpu.memref_slice %arg7[%dma_wait3A_129, %dma_wait3A_130] : memref<10000x128xf32, #tpu.memory_space<vmem_shared>> -> memref<10000x128xf32, #tpu.memory_space<vmem_shared>>
        tpu.wait_indirect_dma semaphore(%run_scoped3A : memref<!tpu.dma_semaphore, #tpu.memory_space<semaphore_mem>>) src(%arg17 : memref<80x128xf32, #tpu.memory_space<vmem>>) dst(%dma_wait3A_131 : memref<10000x128xf32, #tpu.memory_space<vmem_shared>>)
        tpu.yield
      }) : () -> ()
      %add3A_66 = arith.constant 1 : i32
      %add3A_67 = arith.addi %mul3A_42, %add3A_66 : i32
      %add3A_68 = arith.constant 4 : i32
      %add3A_69 = arith.addi %add3A_67, %add3A_68 : i32
      %lt3A_70 = arith.constant 125 : i32
      %lt3A_71 = arith.cmpi slt, %add3A_69, %lt3A_70 : i32
      %convert_element_type3A_72 = arith.extui %lt3A_71 : i1 to i32
      %cond3A_73 = arith.constant 0 : i32
      %cond3A_74 = arith.cmpi ne, %convert_element_type3A_72, %cond3A_73 : i32
      scf.if %cond3A_74 {
        %add3A_126 = arith.constant 1 : i32
        %add3A_127 = arith.addi %mul3A_42, %add3A_126 : i32
        %add3A_128 = arith.constant 4 : i32
        %add3A_129 = arith.addi %add3A_127, %add3A_128 : i32
        %mul3A_130 = arith.constant 80 : i32
        %mul3A_131 = arith.muli %add3A_129, %mul3A_130 : i32
        %add3A_132 = arith.addi %mul3A_2, %mul3A_131 : i32
        %dma_start3A_133 = tpu.memref_slice %arg3[%add3A_132] : memref<320000xi32, #tpu.memory_space<hbm>> -> memref<80xi32, #tpu.memory_space<hbm>>
        %dma_start3A_134 = tpu.memref_slice %arg3[%add3A_132] : memref<320000xi32, #tpu.memory_space<hbm>> -> memref<80xi32, #tpu.memory_space<hbm>>
        tpu.enqueue_dma source(%dma_start3A_134 : memref<80xi32, #tpu.memory_space<hbm>>) target(%arg10 : memref<80xi32, #tpu.memory_space<vmem>>) target_semaphore(%arg25 : memref<!tpu.dma_semaphore, #tpu.memory_space<semaphore_mem>>)
        %dma_start3A_135 = tpu.memref_slice %arg4[%add3A_132] : memref<320000xi32, #tpu.memory_space<hbm>> -> memref<80xi32, #tpu.memory_space<hbm>>
        %dma_start3A_136 = tpu.memref_slice %arg4[%add3A_132] : memref<320000xi32, #tpu.memory_space<hbm>> -> memref<80xi32, #tpu.memory_space<hbm>>
        tpu.enqueue_dma source(%dma_start3A_136 : memref<80xi32, #tpu.memory_space<hbm>>) target(%arg11 : memref<80xi32, #tpu.memory_space<vmem>>) target_semaphore(%arg25 : memref<!tpu.dma_semaphore, #tpu.memory_space<semaphore_mem>>)
      } else {
      }
      %add3A_75 = arith.constant 1 : i32
      %add3A_76 = arith.addi %mul3A_42, %add3A_75 : i32
      %add3A_77 = arith.constant 3 : i32
      %add3A_78 = arith.addi %add3A_76, %add3A_77 : i32
      %lt3A_79 = arith.constant 125 : i32
      %lt3A_80 = arith.cmpi slt, %add3A_78, %lt3A_79 : i32
      %convert_element_type3A_81 = arith.extui %lt3A_80 : i1 to i32
      %cond3A_82 = arith.constant 0 : i32
      %cond3A_83 = arith.cmpi ne, %convert_element_type3A_81, %cond3A_82 : i32
      scf.if %cond3A_83 {
        %add3A_126 = arith.constant 1 : i32
        %add3A_127 = arith.addi %mul3A_42, %add3A_126 : i32
        %add3A_128 = arith.constant 3 : i32
        %add3A_129 = arith.addi %add3A_127, %add3A_128 : i32
        %mul3A_130 = arith.constant 80 : i32
        %mul3A_131 = arith.muli %add3A_129, %mul3A_130 : i32
        %add3A_132 = arith.addi %mul3A_2, %mul3A_131 : i32
        %dma_wait3A_133 = tpu.memref_slice %arg3[%add3A_132] : memref<320000xi32, #tpu.memory_space<hbm>> -> memref<80xi32, #tpu.memory_space<hbm>>
        %dma_wait3A_134 = tpu.memref_slice %arg3[%add3A_132] : memref<320000xi32, #tpu.memory_space<hbm>> -> memref<80xi32, #tpu.memory_space<hbm>>
        tpu.wait_dma2 semaphore(%arg24 : memref<!tpu.dma_semaphore, #tpu.memory_space<semaphore_mem>>) src(%dma_wait3A_134 : memref<80xi32, #tpu.memory_space<hbm>>) dst(%arg8 : memref<80xi32, #tpu.memory_space<vmem>>)
        %dma_wait3A_135 = tpu.memref_slice %arg4[%add3A_132] : memref<320000xi32, #tpu.memory_space<hbm>> -> memref<80xi32, #tpu.memory_space<hbm>>
        %dma_wait3A_136 = tpu.memref_slice %arg4[%add3A_132] : memref<320000xi32, #tpu.memory_space<hbm>> -> memref<80xi32, #tpu.memory_space<hbm>>
        tpu.wait_dma2 semaphore(%arg24 : memref<!tpu.dma_semaphore, #tpu.memory_space<semaphore_mem>>) src(%dma_wait3A_136 : memref<80xi32, #tpu.memory_space<hbm>>) dst(%arg9 : memref<80xi32, #tpu.memory_space<vmem>>)
        %dma_start3A_137 = arith.constant 0 : i32
        %dma_start3A_138 = arith.constant 0 : i32
        %dma_start3A_139 = tpu.memref_slice %arg2[%dma_start3A_137, %dma_start3A_138] : memref<10000x128xf32, #tpu.memory_space<hbm>> -> memref<10000x128xf32, #tpu.memory_space<hbm>>
        tpu.enqueue_indirect_dma source(%dma_start3A_139 : memref<10000x128xf32, #tpu.memory_space<hbm>>) target(%arg16 : memref<80x128xf32, #tpu.memory_space<vmem>>) offsets(%arg8 : memref<80xi32, #tpu.memory_space<vmem>>) semaphore(%arg20 : memref<!tpu.dma_semaphore, #tpu.memory_space<semaphore_mem>>)
      } else {
      }
      %dma_wait3A_84 = arith.constant 0 : i32
      %dma_wait3A_85 = arith.constant 0 : i32
      %dma_wait3A_86 = tpu.memref_slice %arg2[%dma_wait3A_84, %dma_wait3A_85] : memref<10000x128xf32, #tpu.memory_space<hbm>> -> memref<10000x128xf32, #tpu.memory_space<hbm>>
      tpu.wait_indirect_dma semaphore(%arg22 : memref<!tpu.dma_semaphore, #tpu.memory_space<semaphore_mem>>) src(%dma_wait3A_86 : memref<10000x128xf32, #tpu.memory_space<hbm>>) dst(%arg18 : memref<80x128xf32, #tpu.memory_space<vmem>>)
      "tpu.region"() ({
        %run_scoped3A = tpu.sem_alloc : memref<!tpu.dma_semaphore, #tpu.memory_space<semaphore_mem>>
        %dma_start3A_126 = arith.constant 0 : i32
        %dma_start3A_127 = arith.constant 0 : i32
        %dma_start3A_128 = tpu.memref_slice %arg7[%dma_start3A_126, %dma_start3A_127] : memref<10000x128xf32, #tpu.memory_space<vmem_shared>> -> memref<10000x128xf32, #tpu.memory_space<vmem_shared>>
        tpu.enqueue_indirect_dma source(%arg18 : memref<80x128xf32, #tpu.memory_space<vmem>>) target(%dma_start3A_128 : memref<10000x128xf32, #tpu.memory_space<vmem_shared>>) offsets(%arg13 : memref<80xi32, #tpu.memory_space<vmem>>) semaphore(%run_scoped3A : memref<!tpu.dma_semaphore, #tpu.memory_space<semaphore_mem>>) {add = true}
        %dma_wait3A_129 = arith.constant 0 : i32
        %dma_wait3A_130 = arith.constant 0 : i32
        %dma_wait3A_131 = tpu.memref_slice %arg7[%dma_wait3A_129, %dma_wait3A_130] : memref<10000x128xf32, #tpu.memory_space<vmem_shared>> -> memref<10000x128xf32, #tpu.memory_space<vmem_shared>>
        tpu.wait_indirect_dma semaphore(%run_scoped3A : memref<!tpu.dma_semaphore, #tpu.memory_space<semaphore_mem>>) src(%arg18 : memref<80x128xf32, #tpu.memory_space<vmem>>) dst(%dma_wait3A_131 : memref<10000x128xf32, #tpu.memory_space<vmem_shared>>)
        tpu.yield
      }) : () -> ()
      %add3A_87 = arith.constant 2 : i32
      %add3A_88 = arith.addi %mul3A_42, %add3A_87 : i32
      %add3A_89 = arith.constant 4 : i32
      %add3A_90 = arith.addi %add3A_88, %add3A_89 : i32
      %lt3A_91 = arith.constant 125 : i32
      %lt3A_92 = arith.cmpi slt, %add3A_90, %lt3A_91 : i32
      %convert_element_type3A_93 = arith.extui %lt3A_92 : i1 to i32
      %cond3A_94 = arith.constant 0 : i32
      %cond3A_95 = arith.cmpi ne, %convert_element_type3A_93, %cond3A_94 : i32
      scf.if %cond3A_95 {
        %add3A_126 = arith.constant 2 : i32
        %add3A_127 = arith.addi %mul3A_42, %add3A_126 : i32
        %add3A_128 = arith.constant 4 : i32
        %add3A_129 = arith.addi %add3A_127, %add3A_128 : i32
        %mul3A_130 = arith.constant 80 : i32
        %mul3A_131 = arith.muli %add3A_129, %mul3A_130 : i32
        %add3A_132 = arith.addi %mul3A_2, %mul3A_131 : i32
        %dma_start3A_133 = tpu.memref_slice %arg3[%add3A_132] : memref<320000xi32, #tpu.memory_space<hbm>> -> memref<80xi32, #tpu.memory_space<hbm>>
        %dma_start3A_134 = tpu.memref_slice %arg3[%add3A_132] : memref<320000xi32, #tpu.memory_space<hbm>> -> memref<80xi32, #tpu.memory_space<hbm>>
        tpu.enqueue_dma source(%dma_start3A_134 : memref<80xi32, #tpu.memory_space<hbm>>) target(%arg12 : memref<80xi32, #tpu.memory_space<vmem>>) target_semaphore(%arg26 : memref<!tpu.dma_semaphore, #tpu.memory_space<semaphore_mem>>)
        %dma_start3A_135 = tpu.memref_slice %arg4[%add3A_132] : memref<320000xi32, #tpu.memory_space<hbm>> -> memref<80xi32, #tpu.memory_space<hbm>>
        %dma_start3A_136 = tpu.memref_slice %arg4[%add3A_132] : memref<320000xi32, #tpu.memory_space<hbm>> -> memref<80xi32, #tpu.memory_space<hbm>>
        tpu.enqueue_dma source(%dma_start3A_136 : memref<80xi32, #tpu.memory_space<hbm>>) target(%arg13 : memref<80xi32, #tpu.memory_space<vmem>>) target_semaphore(%arg26 : memref<!tpu.dma_semaphore, #tpu.memory_space<semaphore_mem>>)
      } else {
      }
      %add3A_96 = arith.constant 2 : i32
      %add3A_97 = arith.addi %mul3A_42, %add3A_96 : i32
      %add3A_98 = arith.constant 3 : i32
      %add3A_99 = arith.addi %add3A_97, %add3A_98 : i32
      %lt3A_100 = arith.constant 125 : i32
      %lt3A_101 = arith.cmpi slt, %add3A_99, %lt3A_100 : i32
      %convert_element_type3A_102 = arith.extui %lt3A_101 : i1 to i32
      %cond3A_103 = arith.constant 0 : i32
      %cond3A_104 = arith.cmpi ne, %convert_element_type3A_102, %cond3A_103 : i32
      scf.if %cond3A_104 {
        %add3A_126 = arith.constant 2 : i32
        %add3A_127 = arith.addi %mul3A_42, %add3A_126 : i32
        %add3A_128 = arith.constant 3 : i32
        %add3A_129 = arith.addi %add3A_127, %add3A_128 : i32
        %mul3A_130 = arith.constant 80 : i32
        %mul3A_131 = arith.muli %add3A_129, %mul3A_130 : i32
        %add3A_132 = arith.addi %mul3A_2, %mul3A_131 : i32
        %dma_wait3A_133 = tpu.memref_slice %arg3[%add3A_132] : memref<320000xi32, #tpu.memory_space<hbm>> -> memref<80xi32, #tpu.memory_space<hbm>>
        %dma_wait3A_134 = tpu.memref_slice %arg3[%add3A_132] : memref<320000xi32, #tpu.memory_space<hbm>> -> memref<80xi32, #tpu.memory_space<hbm>>
        tpu.wait_dma2 semaphore(%arg25 : memref<!tpu.dma_semaphore, #tpu.memory_space<semaphore_mem>>) src(%dma_wait3A_134 : memref<80xi32, #tpu.memory_space<hbm>>) dst(%arg10 : memref<80xi32, #tpu.memory_space<vmem>>)
        %dma_wait3A_135 = tpu.memref_slice %arg4[%add3A_132] : memref<320000xi32, #tpu.memory_space<hbm>> -> memref<80xi32, #tpu.memory_space<hbm>>
        %dma_wait3A_136 = tpu.memref_slice %arg4[%add3A_132] : memref<320000xi32, #tpu.memory_space<hbm>> -> memref<80xi32, #tpu.memory_space<hbm>>
        tpu.wait_dma2 semaphore(%arg25 : memref<!tpu.dma_semaphore, #tpu.memory_space<semaphore_mem>>) src(%dma_wait3A_136 : memref<80xi32, #tpu.memory_space<hbm>>) dst(%arg11 : memref<80xi32, #tpu.memory_space<vmem>>)
        %dma_start3A_137 = arith.constant 0 : i32
        %dma_start3A_138 = arith.constant 0 : i32
        %dma_start3A_139 = tpu.memref_slice %arg2[%dma_start3A_137, %dma_start3A_138] : memref<10000x128xf32, #tpu.memory_space<hbm>> -> memref<10000x128xf32, #tpu.memory_space<hbm>>
        tpu.enqueue_indirect_dma source(%dma_start3A_139 : memref<10000x128xf32, #tpu.memory_space<hbm>>) target(%arg17 : memref<80x128xf32, #tpu.memory_space<vmem>>) offsets(%arg10 : memref<80xi32, #tpu.memory_space<vmem>>) semaphore(%arg21 : memref<!tpu.dma_semaphore, #tpu.memory_space<semaphore_mem>>)
      } else {
      }
      %dma_wait3A_105 = arith.constant 0 : i32
      %dma_wait3A_106 = arith.constant 0 : i32
      %dma_wait3A_107 = tpu.memref_slice %arg2[%dma_wait3A_105, %dma_wait3A_106] : memref<10000x128xf32, #tpu.memory_space<hbm>> -> memref<10000x128xf32, #tpu.memory_space<hbm>>
      tpu.wait_indirect_dma semaphore(%arg23 : memref<!tpu.dma_semaphore, #tpu.memory_space<semaphore_mem>>) src(%dma_wait3A_107 : memref<10000x128xf32, #tpu.memory_space<hbm>>) dst(%arg19 : memref<80x128xf32, #tpu.memory_space<vmem>>)
      "tpu.region"() ({
        %run_scoped3A = tpu.sem_alloc : memref<!tpu.dma_semaphore, #tpu.memory_space<semaphore_mem>>
        %dma_start3A_126 = arith.constant 0 : i32
        %dma_start3A_127 = arith.constant 0 : i32
        %dma_start3A_128 = tpu.memref_slice %arg7[%dma_start3A_126, %dma_start3A_127] : memref<10000x128xf32, #tpu.memory_space<vmem_shared>> -> memref<10000x128xf32, #tpu.memory_space<vmem_shared>>
        tpu.enqueue_indirect_dma source(%arg19 : memref<80x128xf32, #tpu.memory_space<vmem>>) target(%dma_start3A_128 : memref<10000x128xf32, #tpu.memory_space<vmem_shared>>) offsets(%arg15 : memref<80xi32, #tpu.memory_space<vmem>>) semaphore(%run_scoped3A : memref<!tpu.dma_semaphore, #tpu.memory_space<semaphore_mem>>) {add = true}
        %dma_wait3A_129 = arith.constant 0 : i32
        %dma_wait3A_130 = arith.constant 0 : i32
        %dma_wait3A_131 = tpu.memref_slice %arg7[%dma_wait3A_129, %dma_wait3A_130] : memref<10000x128xf32, #tpu.memory_space<vmem_shared>> -> memref<10000x128xf32, #tpu.memory_space<vmem_shared>>
        tpu.wait_indirect_dma semaphore(%run_scoped3A : memref<!tpu.dma_semaphore, #tpu.memory_space<semaphore_mem>>) src(%arg19 : memref<80x128xf32, #tpu.memory_space<vmem>>) dst(%dma_wait3A_131 : memref<10000x128xf32, #tpu.memory_space<vmem_shared>>)
        tpu.yield
      }) : () -> ()
      %add3A_108 = arith.constant 3 : i32
      %add3A_109 = arith.addi %mul3A_42, %add3A_108 : i32
      %add3A_110 = arith.constant 4 : i32
      %add3A_111 = arith.addi %add3A_109, %add3A_110 : i32
      %lt3A_112 = arith.constant 125 : i32
      %lt3A_113 = arith.cmpi slt, %add3A_111, %lt3A_112 : i32
      %convert_element_type3A_114 = arith.extui %lt3A_113 : i1 to i32
      %cond3A_115 = arith.constant 0 : i32
      %cond3A_116 = arith.cmpi ne, %convert_element_type3A_114, %cond3A_115 : i32
      scf.if %cond3A_116 {
        %add3A_126 = arith.constant 3 : i32
        %add3A_127 = arith.addi %mul3A_42, %add3A_126 : i32
        %add3A_128 = arith.constant 4 : i32
        %add3A_129 = arith.addi %add3A_127, %add3A_128 : i32
        %mul3A_130 = arith.constant 80 : i32
        %mul3A_131 = arith.muli %add3A_129, %mul3A_130 : i32
        %add3A_132 = arith.addi %mul3A_2, %mul3A_131 : i32
        %dma_start3A_133 = tpu.memref_slice %arg3[%add3A_132] : memref<320000xi32, #tpu.memory_space<hbm>> -> memref<80xi32, #tpu.memory_space<hbm>>
        %dma_start3A_134 = tpu.memref_slice %arg3[%add3A_132] : memref<320000xi32, #tpu.memory_space<hbm>> -> memref<80xi32, #tpu.memory_space<hbm>>
        tpu.enqueue_dma source(%dma_start3A_134 : memref<80xi32, #tpu.memory_space<hbm>>) target(%arg14 : memref<80xi32, #tpu.memory_space<vmem>>) target_semaphore(%arg27 : memref<!tpu.dma_semaphore, #tpu.memory_space<semaphore_mem>>)
        %dma_start3A_135 = tpu.memref_slice %arg4[%add3A_132] : memref<320000xi32, #tpu.memory_space<hbm>> -> memref<80xi32, #tpu.memory_space<hbm>>
        %dma_start3A_136 = tpu.memref_slice %arg4[%add3A_132] : memref<320000xi32, #tpu.memory_space<hbm>> -> memref<80xi32, #tpu.memory_space<hbm>>
        tpu.enqueue_dma source(%dma_start3A_136 : memref<80xi32, #tpu.memory_space<hbm>>) target(%arg15 : memref<80xi32, #tpu.memory_space<vmem>>) target_semaphore(%arg27 : memref<!tpu.dma_semaphore, #tpu.memory_space<semaphore_mem>>)
      } else {
      }
      %add3A_117 = arith.constant 3 : i32
      %add3A_118 = arith.addi %mul3A_42, %add3A_117 : i32
      %add3A_119 = arith.constant 3 : i32
      %add3A_120 = arith.addi %add3A_118, %add3A_119 : i32
      %lt3A_121 = arith.constant 125 : i32
      %lt3A_122 = arith.cmpi slt, %add3A_120, %lt3A_121 : i32
      %convert_element_type3A_123 = arith.extui %lt3A_122 : i1 to i32
      %cond3A_124 = arith.constant 0 : i32
      %cond3A_125 = arith.cmpi ne, %convert_element_type3A_123, %cond3A_124 : i32
      scf.if %cond3A_125 {
        %add3A_126 = arith.constant 3 : i32
        %add3A_127 = arith.addi %mul3A_42, %add3A_126 : i32
        %add3A_128 = arith.constant 3 : i32
        %add3A_129 = arith.addi %add3A_127, %add3A_128 : i32
        %mul3A_130 = arith.constant 80 : i32
        %mul3A_131 = arith.muli %add3A_129, %mul3A_130 : i32
        %add3A_132 = arith.addi %mul3A_2, %mul3A_131 : i32
        %dma_wait3A_133 = tpu.memref_slice %arg3[%add3A_132] : memref<320000xi32, #tpu.memory_space<hbm>> -> memref<80xi32, #tpu.memory_space<hbm>>
        %dma_wait3A_134 = tpu.memref_slice %arg3[%add3A_132] : memref<320000xi32, #tpu.memory_space<hbm>> -> memref<80xi32, #tpu.memory_space<hbm>>
        tpu.wait_dma2 semaphore(%arg26 : memref<!tpu.dma_semaphore, #tpu.memory_space<semaphore_mem>>) src(%dma_wait3A_134 : memref<80xi32, #tpu.memory_space<hbm>>) dst(%arg12 : memref<80xi32, #tpu.memory_space<vmem>>)
        %dma_wait3A_135 = tpu.memref_slice %arg4[%add3A_132] : memref<320000xi32, #tpu.memory_space<hbm>> -> memref<80xi32, #tpu.memory_space<hbm>>
        %dma_wait3A_136 = tpu.memref_slice %arg4[%add3A_132] : memref<320000xi32, #tpu.memory_space<hbm>> -> memref<80xi32, #tpu.memory_space<hbm>>
        tpu.wait_dma2 semaphore(%arg26 : memref<!tpu.dma_semaphore, #tpu.memory_space<semaphore_mem>>) src(%dma_wait3A_136 : memref<80xi32, #tpu.memory_space<hbm>>) dst(%arg13 : memref<80xi32, #tpu.memory_space<vmem>>)
        %dma_start3A_137 = arith.constant 0 : i32
        %dma_start3A_138 = arith.constant 0 : i32
        %dma_start3A_139 = tpu.memref_slice %arg2[%dma_start3A_137, %dma_start3A_138] : memref<10000x128xf32, #tpu.memory_space<hbm>> -> memref<10000x128xf32, #tpu.memory_space<hbm>>
        tpu.enqueue_indirect_dma source(%dma_start3A_139 : memref<10000x128xf32, #tpu.memory_space<hbm>>) target(%arg18 : memref<80x128xf32, #tpu.memory_space<vmem>>) offsets(%arg12 : memref<80xi32, #tpu.memory_space<vmem>>) semaphore(%arg22 : memref<!tpu.dma_semaphore, #tpu.memory_space<semaphore_mem>>)
      } else {
      }
    }
    %scan3A_31 = arith.constant 31 : i32
    %dma_wait3A = arith.constant 0 : i32
    %dma_wait3A_32 = arith.constant 0 : i32
    %dma_wait3A_33 = tpu.memref_slice %arg2[%dma_wait3A, %dma_wait3A_32] : memref<10000x128xf32, #tpu.memory_space<hbm>> -> memref<10000x128xf32, #tpu.memory_space<hbm>>
    tpu.wait_indirect_dma semaphore(%arg20 : memref<!tpu.dma_semaphore, #tpu.memory_space<semaphore_mem>>) src(%dma_wait3A_33 : memref<10000x128xf32, #tpu.memory_space<hbm>>) dst(%arg16 : memref<80x128xf32, #tpu.memory_space<vmem>>)
    "tpu.region"() ({
      %run_scoped3A = tpu.sem_alloc : memref<!tpu.dma_semaphore, #tpu.memory_space<semaphore_mem>>
      %dma_start3A_40 = arith.constant 0 : i32
      %dma_start3A_41 = arith.constant 0 : i32
      %dma_start3A_42 = tpu.memref_slice %arg7[%dma_start3A_40, %dma_start3A_41] : memref<10000x128xf32, #tpu.memory_space<vmem_shared>> -> memref<10000x128xf32, #tpu.memory_space<vmem_shared>>
      tpu.enqueue_indirect_dma source(%arg16 : memref<80x128xf32, #tpu.memory_space<vmem>>) target(%dma_start3A_42 : memref<10000x128xf32, #tpu.memory_space<vmem_shared>>) offsets(%arg9 : memref<80xi32, #tpu.memory_space<vmem>>) semaphore(%run_scoped3A : memref<!tpu.dma_semaphore, #tpu.memory_space<semaphore_mem>>) {add = true}
      %dma_wait3A_43 = arith.constant 0 : i32
      %dma_wait3A_44 = arith.constant 0 : i32
      %dma_wait3A_45 = tpu.memref_slice %arg7[%dma_wait3A_43, %dma_wait3A_44] : memref<10000x128xf32, #tpu.memory_space<vmem_shared>> -> memref<10000x128xf32, #tpu.memory_space<vmem_shared>>
      tpu.wait_indirect_dma semaphore(%run_scoped3A : memref<!tpu.dma_semaphore, #tpu.memory_space<semaphore_mem>>) src(%arg16 : memref<80x128xf32, #tpu.memory_space<vmem>>) dst(%dma_wait3A_45 : memref<10000x128xf32, #tpu.memory_space<vmem_shared>>)
      tpu.yield
    }) : () -> ()
    %barrier3A_34 = arith.constant 0 : index
    tpu.barrier barrier_id(%barrier3A_34)
    "tpu.region"() ({
      %run_scoped3A = tpu.sem_alloc : memref<!tpu.dma_semaphore, #tpu.memory_space<semaphore_mem>>
      %dma_start3A_40 = arith.constant 0 : i32
      %dma_start3A_41 = tpu.memref_slice %arg6[%arg0, %mul3A_4, %dma_start3A_40] : memref<2x10000x128xf32, #tpu.memory_space<hbm>> -> memref<1x624x128xf32, #tpu.memory_space<hbm>>
      %dma_start3A_42 = tpu.memref_squeeze %dma_start3A_41 : memref<1x624x128xf32, #tpu.memory_space<hbm>> -> memref<624x128xf32, #tpu.memory_space<hbm>>
      %dma_start3A_43 = arith.constant 0 : i32
      %dma_start3A_44 = tpu.memref_slice %arg7[%mul3A_4, %dma_start3A_43] : memref<10000x128xf32, #tpu.memory_space<vmem_shared>> -> memref<624x128xf32, #tpu.memory_space<vmem_shared>>
      tpu.enqueue_dma source(%dma_start3A_44 : memref<624x128xf32, #tpu.memory_space<vmem_shared>>) target(%dma_start3A_42 : memref<624x128xf32, #tpu.memory_space<hbm>>) target_semaphore(%run_scoped3A : memref<!tpu.dma_semaphore, #tpu.memory_space<semaphore_mem>>)
      %dma_wait3A_45 = arith.constant 0 : i32
      %dma_wait3A_46 = tpu.memref_slice %arg6[%arg0, %mul3A_4, %dma_wait3A_45] : memref<2x10000x128xf32, #tpu.memory_space<hbm>> -> memref<1x624x128xf32, #tpu.memory_space<hbm>>
      %dma_wait3A_47 = tpu.memref_squeeze %dma_wait3A_46 : memref<1x624x128xf32, #tpu.memory_space<hbm>> -> memref<624x128xf32, #tpu.memory_space<hbm>>
      %dma_wait3A_48 = arith.constant 0 : i32
      %dma_wait3A_49 = tpu.memref_slice %arg7[%mul3A_4, %dma_wait3A_48] : memref<10000x128xf32, #tpu.memory_space<vmem_shared>> -> memref<624x128xf32, #tpu.memory_space<vmem_shared>>
      tpu.wait_dma2 semaphore(%run_scoped3A : memref<!tpu.dma_semaphore, #tpu.memory_space<semaphore_mem>>) src(%dma_wait3A_49 : memref<624x128xf32, #tpu.memory_space<vmem_shared>>) dst(%dma_wait3A_47 : memref<624x128xf32, #tpu.memory_space<hbm>>)
      tpu.yield
    }) : () -> ()
    %eq3A_35 = arith.constant 0 : i32
    %eq3A_36 = arith.cmpi eq, %arg1, %eq3A_35 : i32
    %convert_element_type3A_37 = arith.extui %eq3A_36 : i1 to i32
    %cond3A_38 = arith.constant 0 : i32
    %cond3A_39 = arith.cmpi ne, %convert_element_type3A_37, %cond3A_38 : i32
    scf.if %cond3A_39 {
      "tpu.region"() ({
        %run_scoped3A = tpu.sem_alloc : memref<!tpu.dma_semaphore, #tpu.memory_space<semaphore_mem>>
        %dma_start3A_40 = arith.constant 9984 : i32
        %dma_start3A_41 = arith.constant 0 : i32
        %dma_start3A_42 = tpu.memref_slice %arg6[%arg0, %dma_start3A_40, %dma_start3A_41] : memref<2x10000x128xf32, #tpu.memory_space<hbm>> -> memref<1x16x128xf32, #tpu.memory_space<hbm>>
        %dma_start3A_43 = tpu.memref_squeeze %dma_start3A_42 : memref<1x16x128xf32, #tpu.memory_space<hbm>> -> memref<16x128xf32, #tpu.memory_space<hbm>>
        %dma_start3A_44 = arith.constant 9984 : i32
        %dma_start3A_45 = arith.constant 0 : i32
        %dma_start3A_46 = tpu.memref_slice %arg7[%dma_start3A_44, %dma_start3A_45] : memref<10000x128xf32, #tpu.memory_space<vmem_shared>> -> memref<16x128xf32, #tpu.memory_space<vmem_shared>>
        tpu.enqueue_dma source(%dma_start3A_46 : memref<16x128xf32, #tpu.memory_space<vmem_shared>>) target(%dma_start3A_43 : memref<16x128xf32, #tpu.memory_space<hbm>>) target_semaphore(%run_scoped3A : memref<!tpu.dma_semaphore, #tpu.memory_space<semaphore_mem>>)
        %dma_wait3A_47 = arith.constant 9984 : i32
        %dma_wait3A_48 = arith.constant 0 : i32
        %dma_wait3A_49 = tpu.memref_slice %arg6[%arg0, %dma_wait3A_47, %dma_wait3A_48] : memref<2x10000x128xf32, #tpu.memory_space<hbm>> -> memref<1x16x128xf32, #tpu.memory_space<hbm>>
        %dma_wait3A_50 = tpu.memref_squeeze %dma_wait3A_49 : memref<1x16x128xf32, #tpu.memory_space<hbm>> -> memref<16x128xf32, #tpu.memory_space<hbm>>
        %dma_wait3A_51 = arith.constant 9984 : i32
        %dma_wait3A_52 = arith.constant 0 : i32
        %dma_wait3A_53 = tpu.memref_slice %arg7[%dma_wait3A_51, %dma_wait3A_52] : memref<10000x128xf32, #tpu.memory_space<vmem_shared>> -> memref<16x128xf32, #tpu.memory_space<vmem_shared>>
        tpu.wait_dma2 semaphore(%run_scoped3A : memref<!tpu.dma_semaphore, #tpu.memory_space<semaphore_mem>>) src(%dma_wait3A_53 : memref<16x128xf32, #tpu.memory_space<vmem_shared>>) dst(%dma_wait3A_50 : memref<16x128xf32, #tpu.memory_space<hbm>>)
        tpu.yield
      }) : () -> ()
    } else {
    }
    return
  }
}

module attributes {stable_mosaic.version = 14 : i64} {
  func.func @body(%arg0: i32, %arg1: memref<2x2000x128xf32, #tpu.memory_space<vmem>>, %arg2: memref<128x128xf32, #tpu.memory_space<vmem>>, %arg3: memref<128x128xf32, #tpu.memory_space<vmem>>, %arg4: memref<128x128xf32, #tpu.memory_space<vmem>>, %arg5: memref<1x128xf32, #tpu.memory_space<vmem>>, %arg6: memref<1x128xf32, #tpu.memory_space<vmem>>, %arg7: memref<1x128xf32, #tpu.memory_space<vmem>>, %arg8: memref<2000x128xf32, #tpu.memory_space<vmem>>) attributes {dimension_semantics = [#tpu.dimension_semantics<arbitrary>], iteration_bounds = array<i64: 5>, scalar_prefetch = 0 : i64, scratch_operands = 0 : i64, tpu.core_type = #tpu.core_type<tc>, window_params = [{transform_indices = @transform_0, window_bounds = array<i64: 2, 2000, 128>}, {pipeline_mode = #tpu.pipeline_mode<synchronous>, transform_indices = @transform_1, window_bounds = array<i64: 128, 128>}, {pipeline_mode = #tpu.pipeline_mode<synchronous>, transform_indices = @transform_2, window_bounds = array<i64: 128, 128>}, {pipeline_mode = #tpu.pipeline_mode<synchronous>, transform_indices = @transform_3, window_bounds = array<i64: 128, 128>}, {pipeline_mode = #tpu.pipeline_mode<synchronous>, transform_indices = @transform_4, window_bounds = array<i64: 1, 128>}, {pipeline_mode = #tpu.pipeline_mode<synchronous>, transform_indices = @transform_5, window_bounds = array<i64: 1, 128>}, {pipeline_mode = #tpu.pipeline_mode<synchronous>, transform_indices = @transform_6, window_bounds = array<i64: 1, 128>}, {transform_indices = @transform_7, window_bounds = array<i64: 2000, 128>}]} {
    %get3A = arith.constant 0 : index
    %get3A_0 = arith.constant 0 : index
    %get3A_1 = vector.load %arg2[%get3A, %get3A_0] : memref<128x128xf32, #tpu.memory_space<vmem>>, vector<128x128xf32>
    %get3A_2 = arith.constant 0 : index
    %get3A_3 = arith.constant 0 : index
    %get3A_4 = vector.load %arg3[%get3A_2, %get3A_3] : memref<128x128xf32, #tpu.memory_space<vmem>>, vector<128x128xf32>
    %exp3A = math.exp %get3A_4 : vector<128x128xf32>
    %add3A = arith.constant 1.000000e+00 : f32
    %add3A_5 = vector.broadcast %add3A : f32 to vector<128x128xf32>
    %add3A_6 = arith.addf %add3A_5, %exp3A : vector<128x128xf32>
    %log3A = math.log %add3A_6 : vector<128x128xf32>
    %get3A_7 = arith.constant 0 : index
    %get3A_8 = arith.constant 0 : index
    %get3A_9 = vector.load %arg4[%get3A_7, %get3A_8] : memref<128x128xf32, #tpu.memory_space<vmem>>, vector<128x128xf32>
    %mul3A = arith.mulf %log3A, %get3A_9 : vector<128x128xf32>
    %add3A_10 = arith.addf %get3A_1, %mul3A : vector<128x128xf32>
    %get3A_11 = arith.constant 0 : index
    %get3A_12 = arith.constant 0 : index
    %get3A_13 = vector.load %arg5[%get3A_11, %get3A_12] : memref<1x128xf32, #tpu.memory_space<vmem>>, vector<1x128xf32>
    %get3A_14 = arith.constant 0 : index
    %get3A_15 = arith.constant 0 : index
    %get3A_16 = vector.load %arg6[%get3A_14, %get3A_15] : memref<1x128xf32, #tpu.memory_space<vmem>>, vector<1x128xf32>
    %exp3A_17 = math.exp %get3A_16 : vector<1x128xf32>
    %add3A_18 = arith.constant 1.000000e+00 : f32
    %add3A_19 = vector.broadcast %add3A_18 : f32 to vector<1x128xf32>
    %add3A_20 = arith.addf %add3A_19, %exp3A_17 : vector<1x128xf32>
    %log3A_21 = math.log %add3A_20 : vector<1x128xf32>
    %get3A_22 = arith.constant 0 : index
    %get3A_23 = arith.constant 0 : index
    %get3A_24 = vector.load %arg7[%get3A_22, %get3A_23] : memref<1x128xf32, #tpu.memory_space<vmem>>, vector<1x128xf32>
    %mul3A_25 = arith.mulf %log3A_21, %get3A_24 : vector<1x128xf32>
    %add3A_26 = arith.addf %get3A_13, %mul3A_25 : vector<1x128xf32>
    %get3A_27 = arith.constant 0 : index
    %get3A_28 = arith.constant 0 : index
    %get3A_29 = arith.constant 0 : index
    %get3A_30 = vector.load %arg1[%get3A_27, %get3A_28, %get3A_29] : memref<2x2000x128xf32, #tpu.memory_space<vmem>>, vector<1x2000x128xf32>
    %get3A_31 = vector.shape_cast %get3A_30 : vector<1x2000x128xf32> to vector<2000x128xf32>
    %get3A_32 = arith.constant 1 : index
    %get3A_33 = arith.constant 0 : index
    %get3A_34 = arith.constant 0 : index
    %get3A_35 = vector.load %arg1[%get3A_32, %get3A_33, %get3A_34] : memref<2x2000x128xf32, #tpu.memory_space<vmem>>, vector<1x2000x128xf32>
    %get3A_36 = vector.shape_cast %get3A_35 : vector<1x2000x128xf32> to vector<2000x128xf32>
    %add3A_37 = arith.addf %get3A_31, %get3A_36 : vector<2000x128xf32>
    %dot_general3A = arith.constant dense<0.000000e+00> : vector<2000x128xf32>
    %dot_general3A_38 = tpu.matmul %add3A_37, %add3A_10, %dot_general3A {dimension_numbers = #tpu.dot_dimension_numbers<[1], [0], [0], [1], [0, 0, 1, 1], [], []>, transpose_lhs_hint = false} : vector<2000x128xf32>, vector<128x128xf32>, vector<2000x128xf32> -> vector<2000x128xf32>
    %add3A_39 = vector.broadcast %add3A_26 : vector<1x128xf32> to vector<2000x128xf32>
    %add3A_40 = arith.addf %dot_general3A_38, %add3A_39 : vector<2000x128xf32>
    %max3A = arith.constant 0.000000e+00 : f32
    %max3A_41 = vector.broadcast %max3A : f32 to vector<2000x128xf32>
    %max3A_42 = arith.maximumf %add3A_40, %max3A_41 : vector<2000x128xf32>
    %swap3A = arith.constant 0 : index
    %swap3A_43 = arith.constant 0 : index
    %swap3A_44 = vector.load %arg8[%swap3A, %swap3A_43] : memref<2000x128xf32, #tpu.memory_space<vmem>>, vector<2000x128xf32>
    tpu.vector_store %arg8[%swap3A, %swap3A_43], %max3A_42 {strides = array<i32>} : memref<2000x128xf32, #tpu.memory_space<vmem>>, vector<2000x128xf32>,
    return
  }
  func.func @transform_0(%arg0: i32) -> (i32, i32, i32) {
    %c0_i32 = arith.constant 0 : i32
    %c0_i32_0 = arith.constant 0 : i32
    %c0_i32_1 = arith.constant 0 : i32
    return %c0_i32, %arg0, %c0_i32_0 : i32, i32, i32
  }
  func.func @transform_1(%arg0: i32) -> (i32, i32) {
    %c0_i32 = arith.constant 0 : i32
    %c0_i32_0 = arith.constant 0 : i32
    %c0_i32_1 = arith.constant 0 : i32
    return %c0_i32, %c0_i32_0 : i32, i32
  }
  func.func @transform_2(%arg0: i32) -> (i32, i32) {
    %c0_i32 = arith.constant 0 : i32
    %c0_i32_0 = arith.constant 0 : i32
    %c0_i32_1 = arith.constant 0 : i32
    return %c0_i32, %c0_i32_0 : i32, i32
  }
  func.func @transform_3(%arg0: i32) -> (i32, i32) {
    %c0_i32 = arith.constant 0 : i32
    %c0_i32_0 = arith.constant 0 : i32
    %c0_i32_1 = arith.constant 0 : i32
    return %c0_i32, %c0_i32_0 : i32, i32
  }
  func.func @transform_4(%arg0: i32) -> (i32, i32) {
    %c0_i32 = arith.constant 0 : i32
    %c0_i32_0 = arith.constant 0 : i32
    %c0_i32_1 = arith.constant 0 : i32
    return %c0_i32, %c0_i32_0 : i32, i32
  }
  func.func @transform_5(%arg0: i32) -> (i32, i32) {
    %c0_i32 = arith.constant 0 : i32
    %c0_i32_0 = arith.constant 0 : i32
    %c0_i32_1 = arith.constant 0 : i32
    return %c0_i32, %c0_i32_0 : i32, i32
  }
  func.func @transform_6(%arg0: i32) -> (i32, i32) {
    %c0_i32 = arith.constant 0 : i32
    %c0_i32_0 = arith.constant 0 : i32
    %c0_i32_1 = arith.constant 0 : i32
    return %c0_i32, %c0_i32_0 : i32, i32
  }
  func.func @transform_7(%arg0: i32) -> (i32, i32) {
    %c0_i32 = arith.constant 0 : i32
    %c0_i32_0 = arith.constant 0 : i32
    return %arg0, %c0_i32 : i32, i32
  }
}

module attributes {stable_mosaic.version = 14 : i64} {
  func.func @body(%arg0: i32, %arg1: memref<2x2000x128xf32, #tpu.memory_space<vmem>>, %arg2: memref<128x128xf32, #tpu.memory_space<vmem>>, %arg3: memref<128x128xf32, #tpu.memory_space<vmem>>, %arg4: memref<128x128xf32, #tpu.memory_space<vmem>>, %arg5: memref<1x128xf32, #tpu.memory_space<vmem>>, %arg6: memref<1x128xf32, #tpu.memory_space<vmem>>, %arg7: memref<1x128xf32, #tpu.memory_space<vmem>>, %arg8: memref<2000x128xf32, #tpu.memory_space<vmem>>) attributes {dimension_semantics = [#tpu.dimension_semantics<arbitrary>], iteration_bounds = array<i64: 5>, scalar_prefetch = 0 : i64, scratch_operands = 0 : i64, tpu.core_type = #tpu.core_type<tc>, window_params = [{transform_indices = @transform_0, window_bounds = array<i64: 2, 2000, 128>}, {pipeline_mode = #tpu.pipeline_mode<synchronous>, transform_indices = @transform_1, window_bounds = array<i64: 128, 128>}, {pipeline_mode = #tpu.pipeline_mode<synchronous>, transform_indices = @transform_2, window_bounds = array<i64: 128, 128>}, {pipeline_mode = #tpu.pipeline_mode<synchronous>, transform_indices = @transform_3, window_bounds = array<i64: 128, 128>}, {pipeline_mode = #tpu.pipeline_mode<synchronous>, transform_indices = @transform_4, window_bounds = array<i64: 1, 128>}, {pipeline_mode = #tpu.pipeline_mode<synchronous>, transform_indices = @transform_5, window_bounds = array<i64: 1, 128>}, {pipeline_mode = #tpu.pipeline_mode<synchronous>, transform_indices = @transform_6, window_bounds = array<i64: 1, 128>}, {transform_indices = @transform_7, window_bounds = array<i64: 2000, 128>}]} {
    %get3A = arith.constant 0 : index
    %get3A_0 = arith.constant 0 : index
    %get3A_1 = vector.load %arg2[%get3A, %get3A_0] : memref<128x128xf32, #tpu.memory_space<vmem>>, vector<128x128xf32>
    %get3A_2 = arith.constant 0 : index
    %get3A_3 = arith.constant 0 : index
    %get3A_4 = vector.load %arg3[%get3A_2, %get3A_3] : memref<128x128xf32, #tpu.memory_space<vmem>>, vector<128x128xf32>
    %exp3A = math.exp %get3A_4 : vector<128x128xf32>
    %add3A = arith.constant 1.000000e+00 : f32
    %add3A_5 = vector.broadcast %add3A : f32 to vector<128x128xf32>
    %add3A_6 = arith.addf %add3A_5, %exp3A : vector<128x128xf32>
    %log3A = math.log %add3A_6 : vector<128x128xf32>
    %get3A_7 = arith.constant 0 : index
    %get3A_8 = arith.constant 0 : index
    %get3A_9 = vector.load %arg4[%get3A_7, %get3A_8] : memref<128x128xf32, #tpu.memory_space<vmem>>, vector<128x128xf32>
    %mul3A = arith.mulf %log3A, %get3A_9 : vector<128x128xf32>
    %add3A_10 = arith.addf %get3A_1, %mul3A : vector<128x128xf32>
    %get3A_11 = arith.constant 0 : index
    %get3A_12 = arith.constant 0 : index
    %get3A_13 = vector.load %arg5[%get3A_11, %get3A_12] : memref<1x128xf32, #tpu.memory_space<vmem>>, vector<1x128xf32>
    %get3A_14 = arith.constant 0 : index
    %get3A_15 = arith.constant 0 : index
    %get3A_16 = vector.load %arg6[%get3A_14, %get3A_15] : memref<1x128xf32, #tpu.memory_space<vmem>>, vector<1x128xf32>
    %exp3A_17 = math.exp %get3A_16 : vector<1x128xf32>
    %add3A_18 = arith.constant 1.000000e+00 : f32
    %add3A_19 = vector.broadcast %add3A_18 : f32 to vector<1x128xf32>
    %add3A_20 = arith.addf %add3A_19, %exp3A_17 : vector<1x128xf32>
    %log3A_21 = math.log %add3A_20 : vector<1x128xf32>
    %get3A_22 = arith.constant 0 : index
    %get3A_23 = arith.constant 0 : index
    %get3A_24 = vector.load %arg7[%get3A_22, %get3A_23] : memref<1x128xf32, #tpu.memory_space<vmem>>, vector<1x128xf32>
    %mul3A_25 = arith.mulf %log3A_21, %get3A_24 : vector<1x128xf32>
    %add3A_26 = arith.addf %get3A_13, %mul3A_25 : vector<1x128xf32>
    %get3A_27 = arith.constant 0 : index
    %get3A_28 = arith.constant 0 : index
    %get3A_29 = arith.constant 0 : index
    %get3A_30 = vector.load %arg1[%get3A_27, %get3A_28, %get3A_29] : memref<2x2000x128xf32, #tpu.memory_space<vmem>>, vector<1x2000x128xf32>
    %get3A_31 = vector.shape_cast %get3A_30 : vector<1x2000x128xf32> to vector<2000x128xf32>
    %get3A_32 = arith.constant 1 : index
    %get3A_33 = arith.constant 0 : index
    %get3A_34 = arith.constant 0 : index
    %get3A_35 = vector.load %arg1[%get3A_32, %get3A_33, %get3A_34] : memref<2x2000x128xf32, #tpu.memory_space<vmem>>, vector<1x2000x128xf32>
    %get3A_36 = vector.shape_cast %get3A_35 : vector<1x2000x128xf32> to vector<2000x128xf32>
    %add3A_37 = arith.addf %get3A_31, %get3A_36 : vector<2000x128xf32>
    %dot_general3A = arith.constant dense<0.000000e+00> : vector<2000x128xf32>
    %dot_general3A_38 = tpu.matmul %add3A_37, %add3A_10, %dot_general3A {dimension_numbers = #tpu.dot_dimension_numbers<[1], [0], [0], [1], [0, 0, 1, 1], [], []>, transpose_lhs_hint = false} : vector<2000x128xf32>, vector<128x128xf32>, vector<2000x128xf32> -> vector<2000x128xf32>
    %add3A_39 = vector.broadcast %add3A_26 : vector<1x128xf32> to vector<2000x128xf32>
    %add3A_40 = arith.addf %dot_general3A_38, %add3A_39 : vector<2000x128xf32>
    %swap3A = arith.constant 0 : index
    %swap3A_41 = arith.constant 0 : index
    %swap3A_42 = vector.load %arg8[%swap3A, %swap3A_41] : memref<2000x128xf32, #tpu.memory_space<vmem>>, vector<2000x128xf32>
    tpu.vector_store %arg8[%swap3A, %swap3A_41], %add3A_40 {strides = array<i32>} : memref<2000x128xf32, #tpu.memory_space<vmem>>, vector<2000x128xf32>,
    return
  }
  func.func @transform_0(%arg0: i32) -> (i32, i32, i32) {
    %c0_i32 = arith.constant 0 : i32
    %c0_i32_0 = arith.constant 0 : i32
    %c0_i32_1 = arith.constant 0 : i32
    return %c0_i32, %arg0, %c0_i32_0 : i32, i32, i32
  }
  func.func @transform_1(%arg0: i32) -> (i32, i32) {
    %c0_i32 = arith.constant 0 : i32
    %c0_i32_0 = arith.constant 0 : i32
    %c0_i32_1 = arith.constant 0 : i32
    return %c0_i32, %c0_i32_0 : i32, i32
  }
  func.func @transform_2(%arg0: i32) -> (i32, i32) {
    %c0_i32 = arith.constant 0 : i32
    %c0_i32_0 = arith.constant 0 : i32
    %c0_i32_1 = arith.constant 0 : i32
    return %c0_i32, %c0_i32_0 : i32, i32
  }
  func.func @transform_3(%arg0: i32) -> (i32, i32) {
    %c0_i32 = arith.constant 0 : i32
    %c0_i32_0 = arith.constant 0 : i32
    %c0_i32_1 = arith.constant 0 : i32
    return %c0_i32, %c0_i32_0 : i32, i32
  }
  func.func @transform_4(%arg0: i32) -> (i32, i32) {
    %c0_i32 = arith.constant 0 : i32
    %c0_i32_0 = arith.constant 0 : i32
    %c0_i32_1 = arith.constant 0 : i32
    return %c0_i32, %c0_i32_0 : i32, i32
  }
  func.func @transform_5(%arg0: i32) -> (i32, i32) {
    %c0_i32 = arith.constant 0 : i32
    %c0_i32_0 = arith.constant 0 : i32
    %c0_i32_1 = arith.constant 0 : i32
    return %c0_i32, %c0_i32_0 : i32, i32
  }
  func.func @transform_6(%arg0: i32) -> (i32, i32) {
    %c0_i32 = arith.constant 0 : i32
    %c0_i32_0 = arith.constant 0 : i32
    %c0_i32_1 = arith.constant 0 : i32
    return %c0_i32, %c0_i32_0 : i32, i32
  }
  func.func @transform_7(%arg0: i32) -> (i32, i32) {
    %c0_i32 = arith.constant 0 : i32
    %c0_i32_0 = arith.constant 0 : i32
    return %arg0, %c0_i32 : i32, i32
  }
}

</mosaic_0001>

<sc_bundles>
// kernel: kernel.6.cloned.1.call-start
scs
__scs_entry_jumppad:
0x0: {  	(pc) =	sbr.rel $0x88, $3  }
0x1: {  	(tag) =	ssettag $0x0;
	lr =	simm.s32 $0x1  }
0x2: {  	[smem:$0x3F97] =	sst lr;
	_ =	strace $0xD0000000  }
0x3: {  	_ = 	snop  }
0x4: {  	_ = 	snop  }
0x5: {  	_ = 	snop  }
0x6: {  	_ = 	snop  }
0x7: {  	_ = 	snop  }
__scs_overlays_trampoline_lowered:
0x8: {  	[smem:$0x3FA6] =	sst s0  }
0x9: {  	[smem:$0x3FA7] =	sst s1  }
0xa: {  	[smem:$0x3FA8] =	sst s2  }
0xb: {  	[smem:$0x3FA9] =	sst s3  }
0xc: {  	[smem:$0x3FAA] =	sst s4  }
0xd: {  	[smem:$0x3FAB] =	sst s5  }
0xe: {  	[smem:$0x3FAC] =	sst s6  }
0xf: {  	[smem:$0x3FAD] =	sst s7  }
0x10: {  	[smem:$0x3FAE] =	sst s8  }
0x11: {  	[smem:$0x3FAF] =	sst s9;
	s0 =	simm.s32 @!p0 $0x0  }
0x12: {  	s1 =	sld [smem:$0x3F95];
	s0 =	simm.s32 @p0 $0x1  }
0x13: {  	[smem:$0x3FB0] =	sst s0;
	s0 =	simm.s32 @!p1 $0x0  }
0x14: {  	s2 =	sld [smem:$0x3F94];
	s0 =	simm.s32 @p1 $0x1  }
0x15: {  	[smem:$0x3FB1] =	sst s0;
	s0 =	simm.s32 @!p2 $0x0  }
0x16: {  	s3 =	sld [smem:$0x3FDB];
	s0 =	simm.s32 @p2 $0x1  }
0x17: {  	s4 =	simm.s32 $0x1BF5;
	[smem:$0x3FB3] =	sst s0  }
0x18: {  	s0 =	sld [smem:$0x3F96];
	_ =	swait.ge [sflag:s4], $0x0  }
0x19: {  	s7 =	sld [smem:$0x3F97]  }
0x1a: {  	s8 =	sadd.s32 $0xFFFFE003, lr  }
0x1b: {  	s9 =	sadd.s32 $0xFFFFFEF7, lr;
	s5 =	simm.s32 $0xFFFFFFFF;
	p2 =	slt.u32 s8, $0xFFFFF086  }
0x1c: {  	p1 =	slt.u32 s9, $0xF7A;
	s5 =	simm.s32 @!p2 $0x0  }
0x1d: {  	s5 =	simm.s32 @p1 $0x1;
	p0 =	seq.s32 s7, s2  }
0x1e: {  	s7 =	smul.u32 @!p0 $0xF7A, s2;
	p2 =	seq.s32 @!p0 s5, $0x0  }
0x1f: {  	s9 =	smul.u32 $0xF7A, s1;
	s8 =	simm.s32 @!p0 $0x1BF5;
	p2 =	por !p2, p0  }
0x20: {  	[sflag:s8] =	ssyncset.s32 @!p0 $0xFFFFF086;
	s6 =	sadd.s32 @!p0 s3, s7;
	s7 =	simm.s32 @!p0 $0x108  }
0x21: {  	s3 =	sadd.s32 s3, s9;
	s6 =	sadd.s32 @!p0 $0x88, s6;
	s7 =	simm.s32 @p2 $0x1082  }
0x22: {  	[simem:s7], [sflag:s8] =	dma.local @!p0 [hbm:s6], $0xF7A  }
0x23: {  	s9 =	sor.u32 $0xD0000000, s2;
	s6 =	simm.s32 $0x108;
	_ =	swait.ge @!p0 [sflag:s8], $0x0  }
0x24: {  	s3 =	sadd.s32 $0x88, s3;
	s6 =	simm.s32 @!p1 $0x1082;
	[sflag:s4] =	ssyncset.s32 $0xFFFFF086  }
0x25: {  	[simem:s6], [sflag:s4] =	dma.local [hbm:s3], $0xF7A  }
0x26: {  	[smem:$0x3F97] =	sst s1;
	(tag) =	ssettag s2;
	_ =	strace s9  }
0x27: {  	s1 =	sld [smem:$0x3FA7]  }
0x28: {  	s2 =	sld [smem:$0x3FA8]  }
0x29: {  	s4 =	sld [smem:$0x3FAA]  }
0x2a: {  	p0 =	seq.s32 s5, $0x0;
	s5 =	sld [smem:$0x3FAB]  }
0x2b: {  	s6 =	sld [smem:$0x3FAC]  }
0x2c: {  	s7 =	sld [smem:$0x3FAD]  }
0x2d: {  	s3 =	simm.s32 $0x108;
	s8 =	sld [smem:$0x3FAE]  }
0x2e: {  	s3 =	simm.s32 @!p0 $0x1082;
	s9 =	sld [smem:$0x3FAF]  }
0x2f: {  	lr =	sadd.s32 s0, s3;
	s0 =	sld [smem:$0x3FA6]  }
0x30: {  	s3 =	sld [smem:$0x3FA9]  }
0x31: {  	[smem:$0x3FB2] =	sst s10  }
0x32: {  	s10 =	sld [smem:$0x3FB0];
	_ =	sdelay $0x3  }
0x33: {  	p0 =	seq.s32 s10, $0x1;
	s10 =	sld [smem:$0x3FB2];
	_ =	sdelay $0x3  }
0x34: {  	[smem:$0x3FB2] =	sst s10  }
0x35: {  	s10 =	sld [smem:$0x3FB1];
	_ =	sdelay $0x3  }
0x36: {  	p1 =	seq.s32 s10, $0x1;
	s10 =	sld [smem:$0x3FB2];
	_ =	sdelay $0x3  }
0x37: {  	[smem:$0x3FB2] =	sst s10  }
0x38: {  	s10 =	sld [smem:$0x3FB3]  }
0x39: {  	_ = 	snop;
	(pc) =	sbr.ind lr, $3  }
0x3a: {  	_ = 	snop  }
0x3b: {  	_ = 	snop  }
0x3c: {  	p2 =	seq.s32 s10, $0x1;
	s10 =	sld [smem:$0x3FB2]  }
0x3d: {  	_ =	shalt  }
0x3e: {  	_ =	shalt  }
0x3f: {  	_ =	shalt  }
0x40: {  	_ =	shalt  }
0x41: {  	_ =	shalt  }
0x42: {  	_ =	shalt  }
0x43: {  	_ =	shalt  }
0x44: {  	_ =	shalt  }
0x45: {  	_ =	shalt  }
0x46: {  	_ =	shalt  }
0x47: {  	_ =	shalt  }
0x48: {  	_ =	shalt  }
0x49: {  	_ =	shalt  }
0x4a: {  	_ =	shalt  }
0x4b: {  	_ =	shalt  }
0x4c: {  	_ =	shalt  }
0x4d: {  	_ =	shalt  }
0x4e: {  	_ =	shalt  }
0x4f: {  	_ =	shalt  }
0x50: {  	_ =	shalt  }
0x51: {  	_ =	shalt  }
0x52: {  	_ =	shalt  }
0x53: {  	_ =	shalt  }
0x54: {  	_ =	shalt  }
0x55: {  	_ =	shalt  }
0x56: {  	_ =	shalt  }
0x57: {  	_ =	shalt  }
0x58: {  	_ =	shalt  }
0x59: {  	_ =	shalt  }
0x5a: {  	_ =	shalt  }
0x5b: {  	_ =	shalt  }
0x5c: {  	_ =	shalt  }
0x5d: {  	_ =	shalt  }
0x5e: {  	_ =	shalt  }
0x5f: {  	_ =	shalt  }
0x60: {  	_ =	shalt  }
0x61: {  	_ =	shalt  }
0x62: {  	_ =	shalt  }
0x63: {  	_ =	shalt  }
0x64: {  	_ =	shalt  }
0x65: {  	_ =	shalt  }
0x66: {  	_ =	shalt  }
0x67: {  	_ =	shalt  }
0x68: {  	_ =	shalt  }
0x69: {  	_ =	shalt  }
0x6a: {  	_ =	shalt  }
0x6b: {  	_ =	shalt  }
0x6c: {  	_ =	shalt  }
0x6d: {  	_ =	shalt  }
0x6e: {  	_ =	shalt  }
0x6f: {  	_ =	shalt  }
0x70: {  	_ =	shalt  }
0x71: {  	_ =	shalt  }
0x72: {  	_ =	shalt  }
0x73: {  	_ =	shalt  }
0x74: {  	_ =	shalt  }
0x75: {  	_ =	shalt  }
0x76: {  	_ =	shalt  }
0x77: {  	_ =	shalt  }
0x78: {  	_ =	shalt  }
0x79: {  	_ =	shalt  }
0x7a: {  	_ =	shalt  }
0x7b: {  	_ =	shalt  }
0x7c: {  	_ =	shalt  }
0x7d: {  	_ =	shalt  }
0x7e: {  	_ =	shalt  }
0x7f: {  	_ =	shalt  }
0x80: {  	_ =	shalt  }
0x81: {  	_ =	shalt  }
0x82: {  	_ =	shalt  }
0x83: {  	_ =	shalt  }
0x84: {  	_ =	shalt  }
0x85: {  	_ =	shalt  }
0x86: {  	_ =	shalt  }
0x87: {  	_ =	shalt  }
.Lfunc_end0:
.L_simem_size_0:
called_computation_lowered:
.L_overlay_start_0:
0x88: {  	s2 =	sld [smem:$0x3FD9]  }
0x89: {  	s3 =	sld [smem:$0x3FFE];
	_ =	sdelay $0x1  }
0x8a: {  	s1 =	srdreg.scid  }
0x8b: {  	s0 =	sand.u32 $0x1, s1  }
0x8c: {  	s17 =	sshll.u32 s0, $0xA;
	s2 =	sadd.s32 s3, s2  }
0x8d: {  	s2 =	sadd.s32 s2, s17  }
0x8e: {  	[smem:$0x3FBE] =	sst s2  }
0x8f: {  	_ = 	snop  }
0x90: {  	s2 =	sld [smem:$0x3FC9];
	(tm) =	ssettm $0x1  }
0x91: {  	s18 =	sld [smem:$0x3FFB];
	_ =	sdelay $0x3  }
0x92: {  	_ =	strace s18  }
0x93: {  	s3 =	sld [smem:$0x3FFC];
	_ =	sdelay $0x3  }
0x94: {  	_ =	strace s3  }
0x95: {  	s3 =	sld [smem:$0x3FFD];
	_ =	sdelay $0x3  }
0x96: {  	_ =	strace s3  }
0x97: {  	_ =	strace $0x8FFFFFFF  }
0x98: {  	s19 =	sld [smem:$0x3FDB];
	_ =	sdelay $0x1  }
0x99: {  	s4 =	simm.s32 $_scs_section_size  }
0x9a: {  	s5 =	simm.s32 $_size__tile_overlayer_lowered;
	s6 =	simm.s32 $_tile_overlayer_lowered  }
0x9b: {  	s22 =	simm.s32 $0x1BFF;
	s21 =	sshll.u32 s6, $0x1;
	s3 =	sadd.s32 s4, s19  }
0x9c: {  	s7 =	simm.s32 $0x0;
	s20 =	sshll.u32 s5, $0x1;
	s5 =	sadd.s32 s21, s3  }
0x9d: {  	[timem:s7], [sflag:s22] =	dma.local [hbm:s5], s20  }
0x9e: {  	_ =	swait.ge [sflag:s22], s20  }
0x9f: {  	s4 =	ssub.s32 $0x0, s20;
	[sflag:s22] =	ssyncset.done $0x0  }
0xa0: {  	[sflag:s22] =	ssyncadd.s32 s4;
	_ =	sdelay $0x1  }
0xa1: {  	s23 =	simm.s32 $0x1B8B  }
0xa2: {  	_ =	swait.ge [sflag:s23], $0x1  }
0xa3: {  	[sflag:s23] =	ssyncset.done $0x0  }
0xa4: {  	s25 =	simm.s32 $0x1B8E;
	s24 =	sld [smem:$0x3FFE];
	[sflag:s23] =	ssyncadd.s32 $0xFFFFFFFF  }
0xa5: {  	s26 =	simm.s32 $execute0_lowered;
	[smem:$0x3FD2] =	sst s25  }
0xa6: {  	s5 =	sshll.u32 s26, $0x1;
	_ =	strace $0x80000046;
	[dreg:$0x1] =	wrdreg $0xFFFFFFFF  }
0xa7: {  	s28 =	simm.s32 $_size_execute0_lowered;
	s3 =	sadd.s32 s3, s5;
	[dreg:$0x0] =	wrdreg $0x0  }
0xa8: {  	s5 =	sshll.u32 s28, $0x1;
	[dreg:$0x2] =	wrdreg s3  }
0xa9: {  	[dreg:$0x3] =	wrdreg s5  }
0xaa: {  	[dreg:$0x4] =	wrdreg $0xC0  }
0xab: {  	_ =	task [dreg:s7], $0x5FFFF  }
0xac: {  	[dreg:$0x1] =	wrdreg $0xFFFFFFFF  }
0xad: {  	[dreg:$0x0] =	wrdreg $0x60  }
0xae: {  	[dreg:$0x2] =	wrdreg s2  }
0xaf: {  	[dreg:$0x3] =	wrdreg s24  }
0xb0: {  	[dreg:$0x4] =	wrdreg $0x0  }
0xb1: {  	[dreg:$0x5] =	wrdreg $0x9  }
0xb2: {  	_ =	task.clear_ibuf [dreg:s7], $0x6FFFF;
	_ =	strace $0x90000046  }
0xb3: {  	s29 =	simm.s32 $0x9;
	_ =	strace $0x80000048  }
0xb4: {  	_ =	swait.ge [sflag:s29], $0x1  }
0xb5: {  	[sflag:s29] =	ssyncadd.s32 $0xFFFFFFFF  }
0xb6: {  	_ =	strace $0x90000048  }
0xb7: {  	_ =	sfence  }
0xb8: {  	s30 =	sld [smem:$0x0];
	_ =	sdelay $0x2  }
0xb9: {  	s31 =	sshll.u32 s1, $0xD;
	s1 =	sshrl.u32 s1, $0x2  }
0xba: {  	s3 =	sand.u32 $0x4000, s31;
	s1 =	sadd.s32 s1, s30  }
0xbb: {  	s0 =	sor.u32 s3, s0;
	s1 =	sshll.u32 s1, $0x11  }
0xbc: {  	s0 =	sor.u32 s1, s0  }
0xbd: {  	s0 =	sadd.s32 $0x8F2B, s0  }
0xbe: {  	[sflag:s0] =	ssyncadd.remote.s32 $0x1  }
0xbf: {  	_ =	sfence.sel $0xFFFF  }
0xc0: {  	[dreg:$0x0] =	wrdreg $0xFFFFFFFF;
	(pc) =	sbr.abs _section_cstart, $3  }
0xc1: {  	[dreg:$0x1] =	wrdreg $0xFFFFFFFF  }
0xc2: {  	_ =	task.clear_ibuf [dreg:s7], $0x2FFFF;
	_ =	strace $0x9FFFFFFF  }
0xc3: {  	(tm) =	ssettm $0x7FFFFFFF  }
tec
execute0_lowered:
.L_overlay_start_1:
0x0: {  	(tag) =	ssettag $0x1  }
0x1: {  	s1 =	rddreg [dreg:$0x0]  }
0x2: {  	s0 =	rddreg [dreg:$0x1]  }
0x3: {  	s2 =	rddreg [dreg:$0x2]  }
0x4: {  	s3 =	simm.s32 $0x0;
	s4 =	srdreg.scid;
	s5 =	stileid.u32  }
0x5: {  	s29 =	simm.s32 $0x9;
	s30 =	simm.s32 $0x13880;
	s31 =	simm.s32 $0x13900  }
0x6: {  	s28 =	simm.s32 $0x2;
	[smem:$0x7FF] =	sst s3;
	s4 =	sand.u32 $0x1, s4  }
0x7: {  	s6 =	sshll.u32 s5, $0x1;
	s12 =	sadd.s32 $0xCE00, s0;
	s9 =	smul.u32 $0x4E000, s5  }
0x8: {  	s13 =	sadd.s32 $0x3000, s0;
	s10 =	sadd.s32 $0x16C00, s0;
	s11 =	smul.u32 $0x13800, s5  }
0x9: {  	s0 =	sadd.s32 $0x19400, s0;
	s16 =	sshll.u32 s5, $0x6;
	s25 =	smul.u32 $0x4E20, s5  }
0xa: {  	p0 =	sne.s32 s5, $0x0;
	_ =	strace $0x80000047;
	s21 =	smul.u32 $0x138800, s4  }
0xb: {  	s6 =	sor.u32 s4, s6;
	s7 =	ssub.s32 $0x2, s4;
	s4 =	smul.u32 $0x2710, s4  }
0xc: {  	[dreg:$0x4] =	wrdreg s10;
	s20 =	sor.u32 $0x1C09, s16;
	s6 =	smul.u32 $0x2710, s6  }
0xd: {  	s8 =	sshrl.u32 s7, $0x1;
	s15 =	sshrl.u32 s9, $0x2;
	[dreg:$0x6] =	wrdreg s20  }
0xe: {  	s7 =	ssub.s32 s7, s8;
	s8 =	sadd.s32 s15, s2;
	s9 =	sshrl.u32 s21, $0x3  }
0xf: {  	s6 =	sshrl.u32 s6, $0x3;
	[dreg:$0x5] =	wrdreg s8;
	s14 =	smax.u32 s7, $0x1  }
0x10: {  	s4 =	sadd.s32 s4, s25;
	s17 =	sadd.s32 s12, s6;
	[dreg:$0x11] =	wrdreg s14  }
0x11: {  	s18 =	sadd.s32 s13, s6;
	s19 =	sadd.s32 $0xA, s6;
	[dreg:$0x7] =	wrdreg s17  }
0x12: {  	s16 =	sadd.s32 $0x1E0, s4;
	[dreg:$0x8] =	wrdreg s18;
	s22 =	sadd.s32 s12, s19  }
0x13: {  	s23 =	sadd.s32 $0x14, s6;
	s8 =	sadd.s32 s13, s19;
	[dreg:$0x9] =	wrdreg s22  }
0x14: {  	s7 =	simm.s32 $0x7;
	s24 =	sadd.s32 s12, s23;
	[dreg:$0xa] =	wrdreg s8  }
0x15: {  	s6 =	sadd.s32 $0x1E, s6;
	s10 =	sadd.s32 s13, s23;
	[dreg:$0xb] =	wrdreg s24  }
0x16: {  	s14 =	simm.s32 $0x13C80;
	s26 =	sadd.s32 s12, s6;
	[dreg:$0xc] =	wrdreg s10  }
0x17: {  	s6 =	sadd.s32 s13, s6;
	s17 =	sadd.s32 $0x190, s4;
	[dreg:$0xd] =	wrdreg s26  }
0x18: {  	s23 =	smov.u32 s12;
	[dreg:$0xe] =	wrdreg s6;
	s10 =	sadd.s32 s11, s21  }
0x19: {  	s11 =	sadd.s32 $0x230, s4;
	s19 =	sshrl.u32 s17, $0x3;
	s24 =	smov.u32 s13  }
0x1a: {  	s22 =	sadd.s32 $0x140, s4;
	s26 =	sadd.s32 $0x138000, s2;
	s17 =	simm.s32 $0x1  }
0x1b: {  	s8 =	simm.s32 $0x4;
	s6 =	sshrl.u32 s10, $0x3;
	s15 =	sshrl.u32 s11, $0x3  }
0x1c: {  	s21 =	sadd.s32 s19, s13;
	s25 =	sadd.s32 s19, s12;
	[dreg:$0x17] =	wrdreg s22  }
0x1d: {  	[dreg:$0x18] =	wrdreg s26;
	s10 =	simm.s32 $0x13B00;
	s11 =	simm.s32 $0x13B80  }
0x1e: {  	s6 =	sadd.s32 s0, s6;
	s0 =	sadd.s32 s0, s9;
	[dreg:$0x16] =	wrdreg s21  }
0x1f: {  	s19 =	simm.s32 $0x1B480;
	[dreg:$0xf] =	wrdreg s6;
	s0 =	sadd.s32 $0x27000, s0  }
0x20: {  	s26 =	simm.s32 $0x5;
	s6 =	sadd.s32 s15, s13;
	[dreg:$0x10] =	wrdreg s0  }
0x21: {  	s9 =	simm.s32 $0x13A80;
	s21 =	simm.s32 $0x0;
	[dreg:$0x12] =	wrdreg s6  }
.Ltmp0:
0x22: {  	s0 =	sadd.s32 s15, s12;
	s15 =	simm.s32 $0x16480;
	(pc) =	sbr.rel .LBB2_1-.Ltmp0, $4  }
0x23: {  	s6 =	simm.s32 $0x3;
	[dreg:$0x13] =	wrdreg s0;
	s0 =	sshrl.u32 s16, $0x3  }
0x24: {  	s16 =	simm.s32 $0x18C80;
	s18 =	sadd.s32 s0, s13;
	s0 =	sadd.s32 s0, s12  }
0x25: {  	s12 =	simm.s32 $0x13C00;
	s13 =	simm.s32 $0x50;
	[dreg:$0x14] =	wrdreg s18  }
0x26: {  	[dreg:$0x15] =	wrdreg s0;
	s18 =	simm.s32 $0x8;
	s0 =	simm.s32 $0x6  }
.LBB2_4:
0x27: {  	_ =	swait.ge [sflag:s8], $0x2800  }
0x28: {  	[sflag:s8] =	ssyncset.done $0x0  }
0x29: {  	[sflag:s8] =	ssyncadd.s32 $0xFFFFD800  }
0x2a: {  	[spmem:s2] =	stream.indirect.scatter.add.f32 [tilespmem:s19], [sflag:$0x9], $0x80, s12, s13, $0xb8;
	[tilespmem:$0x1DC80] =	vst v63  }
0x2b: {  	_ =	swait.ge [sflag:s29], $0x2800  }
0x2c: {  	[sflag:s29] =	ssyncset.done $0x0  }
0x2d: {  	[sflag:s29] =	ssyncadd.s32 $0xFFFFD800  }
0x2e: {  	_ =	swait.ge [sflag:s17], $0x2800  }
0x2f: {  	[sflag:s17] =	ssyncset.done $0x0  }
0x30: {  	[sflag:s17] =	ssyncadd.s32 $0xFFFFD800  }
0x31: {  	[spmem:s2] =	stream.indirect.scatter.add.f32 [tilespmem:s14], [sflag:$0x9], $0x80, s31, s13, $0xb8;
	[tilespmem:$0x1DC80] =	vst v63  }
0x32: {  	_ =	swait.ge [sflag:s29], $0x2800  }
0x33: {  	[sflag:s29] =	ssyncset.done $0x0  }
0x34: {  	[sflag:s29] =	ssyncadd.s32 $0xFFFFD800  }
0x35: {  	[bflag:$0x0] =	sbarrier.arrive $0xFFFF  }
0x36: {  	s20 =	rddreg [dreg:$0x6]  }
0x37: {  	s4 =	rddreg [dreg:$0xf]  }
0x38: {  	s5 =	rddreg [dreg:$0x1a]  }
0x39: {  	[hbm:s4], [sflag:s20] =	dma.local [spmem:s5], $0x2700  }
0x3a: {  	_ =	swait.ge [sflag:s29], $0x2700  }
0x3b: {  	[sflag:s29] =	ssyncset.done $0x0;
	s4 =	rddreg [dreg:$0x10]  }
0x3c: {  	s5 =	rddreg [dreg:$0x1b];
	[sflag:s29] =	ssyncadd.s32 $0xFFFFD900  }
0x3d: {  	[hbm:s4], [sflag:s20] =	dma.local @!p0 [spmem:s5], $0x100  }
0x3e: {  	s4 =	simm.s32 @!p0 $0x9  }
0x3f: {  	_ =	swait.ge @!p0 [sflag:s4], $0x100  }
0x40: {  	s21 =	rddreg [dreg:$0x19]  }
0x41: {  	s22 =	rddreg [dreg:$0x11];
	s21 =	sadd.s32 $0x1, s21  }
0x42: {  	p1 =	sne.s32 s21, s22  }
.Ltmp1:
0x43: {  	_ = 	snop;
	(pc) =	sbr.rel @!p1 .LBB2_5-.Ltmp1, $3  }
0x44: {  	_ =	sdelay $0x1  }
0x45: {  	[sflag:s4] =	ssyncset.done @!p0 $0x0  }
0x46: {  	[sflag:s4] =	ssyncadd.s32 @!p0 $0xFFFFFF00  }
.LBB2_1:
0x47: {  	[dreg:$0x19] =	wrdreg s21  }
0x48: {  	s4 =	rddreg [dreg:$0x5]  }
0x49: {  	s5 =	sshrl.u32 s4, $0x3;
	s4 =	rddreg [dreg:$0x4]  }
0x4a: {  	[dreg:$0x1a] =	wrdreg s5  }
0x4b: {  	[spmem:s5], [sflag:s20] =	dma.local [hbm:s4], $0x2700  }
0x4c: {  	_ =	swait.ge [sflag:s29], $0x2700  }
0x4d: {  	s5 =	rddreg [dreg:$0x18]  }
0x4e: {  	[sflag:s29] =	ssyncset.done $0x0;
	s5 =	sshrl.u32 @!p0 s5, $0x3  }
0x4f: {  	[sflag:s29] =	ssyncadd.s32 $0xFFFFD900;
	[dreg:$0x1b] =	wrdreg s5  }
0x50: {  	[spmem:s5], [sflag:s20] =	dma.local @!p0 [hbm:s4], $0x100  }
0x51: {  	s4 =	simm.s32 @!p0 $0x9  }
0x52: {  	_ =	swait.ge @!p0 [sflag:s4], $0x100  }
0x53: {  	[sflag:s4] =	ssyncset.done @!p0 $0x0  }
0x54: {  	[sflag:s4] =	ssyncadd.s32 @!p0 $0xFFFFFF00  }
0x55: {  	[bflag:$0x0] =	sbarrier.arrive $0xFFFF  }
0x56: {  	s20 =	rddreg [dreg:$0x7]  }
0x57: {  	[tilespmem:s30], [sflag:$0x9] =	stream.linear.gather [hbm4b:s20+s3], $0x50, $0x38;
	[tilespmem:$0x1DC80] =	vst v63  }
0x58: {  	_ =	swait.ge [sflag:s29], $0x50  }
0x59: {  	[sflag:s29] =	ssyncset.done $0x0  }
0x5a: {  	s21 =	rddreg [dreg:$0x8];
	[sflag:s29] =	ssyncadd.s32 $0xFFFFFFB0  }
0x5b: {  	[tilespmem:s31], [sflag:$0x9] =	stream.linear.gather [hbm4b:s21+s3], $0x50, $0x38;
	[tilespmem:$0x1DC80] =	vst v63  }
0x5c: {  	_ =	swait.ge [sflag:s29], $0x50  }
0x5d: {  	[sflag:s29] =	ssyncset.done $0x0  }
0x5e: {  	s5 =	simm.s32 $0x13980;
	s22 =	rddreg [dreg:$0x9];
	[sflag:s29] =	ssyncadd.s32 $0xFFFFFFB0  }
0x5f: {  	[tilespmem:s5], [sflag:$0x9] =	stream.linear.gather [hbm4b:s22+s3], $0x50, $0x38;
	[tilespmem:$0x1DC80] =	vst v63  }
0x60: {  	_ =	swait.ge [sflag:s29], $0x50  }
0x61: {  	[sflag:s29] =	ssyncset.done $0x0  }
0x62: {  	s21 =	simm.s32 $0x13A00;
	s20 =	rddreg [dreg:$0xa];
	[sflag:s29] =	ssyncadd.s32 $0xFFFFFFB0  }
0x63: {  	[tilespmem:s21], [sflag:$0x9] =	stream.linear.gather [hbm4b:s20+s3], $0x50, $0x38;
	[tilespmem:$0x1DC80] =	vst v63  }
0x64: {  	_ =	swait.ge [sflag:s29], $0x50  }
0x65: {  	[sflag:s29] =	ssyncset.done $0x0  }
0x66: {  	s22 =	rddreg [dreg:$0xb];
	[sflag:s29] =	ssyncadd.s32 $0xFFFFFFB0  }
0x67: {  	[tilespmem:s9], [sflag:$0x9] =	stream.linear.gather [hbm4b:s22+s3], $0x50, $0x38;
	[tilespmem:$0x1DC80] =	vst v63  }
0x68: {  	_ =	swait.ge [sflag:s29], $0x50  }
0x69: {  	[sflag:s29] =	ssyncset.done $0x0  }
0x6a: {  	s20 =	rddreg [dreg:$0xc];
	[sflag:s29] =	ssyncadd.s32 $0xFFFFFFB0  }
0x6b: {  	[tilespmem:s10], [sflag:$0x9] =	stream.linear.gather [hbm4b:s20+s3], $0x50, $0x38;
	[tilespmem:$0x1DC80] =	vst v63  }
0x6c: {  	_ =	swait.ge [sflag:s29], $0x50  }
0x6d: {  	[sflag:s29] =	ssyncset.done $0x0  }
0x6e: {  	s21 =	rddreg [dreg:$0xd];
	[sflag:s29] =	ssyncadd.s32 $0xFFFFFFB0  }
0x6f: {  	[tilespmem:s11], [sflag:$0x8] =	stream.linear.gather [hbm4b:s21+s3], $0x50, $0x38;
	[tilespmem:$0x1DC80] =	vst v63  }
0x70: {  	s22 =	rddreg [dreg:$0xe]  }
0x71: {  	[tilespmem:s12], [sflag:$0x8] =	stream.linear.gather [hbm4b:s22+s3], $0x50, $0x38;
	[tilespmem:$0x1DC80] =	vst v63  }
0x72: {  	_ = 	snop  }
0x73: {  	[tilespmem:s14], [sflag:$0x1] =	stream.indirect.gather [hbm4b:s1+s13], $0x80, s30, s13, $0xb8;
	[tilespmem:$0x1DC80] =	vst v63  }
0x74: {  	_ = 	snop  }
0x75: {  	[tilespmem:s15], [sflag:$0x2] =	stream.indirect.gather [hbm4b:s1+s13], $0x80, s5, s13, $0xb8;
	[tilespmem:$0x1DC80] =	vst v63  }
0x76: {  	s4 =	rddreg [dreg:$0x17];
	s5 =	simm.s32 $0x0  }
0x77: {  	[tilespmem:s16], [sflag:$0x3] =	stream.indirect.gather [hbm4b:s1+s13], $0x80, s9, s13, $0xb8;
	[tilespmem:$0x1DC80] =	vst v63  }
.LBB2_2:
0x78: {  	_ =	swait.ge [sflag:s17], $0x2800  }
0x79: {  	[sflag:s17] =	ssyncset.done $0x0  }
0x7a: {  	[sflag:s17] =	ssyncadd.s32 $0xFFFFD800  }
0x7b: {  	[spmem:s2] =	stream.indirect.scatter.add.f32 [tilespmem:s14], [sflag:$0x9], $0x80, s31, s13, $0xb8;
	[tilespmem:$0x1DC80] =	vst v63  }
0x7c: {  	_ =	swait.ge [sflag:s29], $0x2800  }
0x7d: {  	s20 =	sshrl.u32 s4, $0x3;
	[sflag:s29] =	ssyncset.done $0x0  }
0x7e: {  	s21 =	sadd.s32 s23, s20;
	[sflag:s29] =	ssyncadd.s32 $0xFFFFD800  }
0x7f: {  	[tilespmem:s30], [sflag:$0x5] =	stream.linear.gather [hbm4b:s21+s3], $0x50, $0x38;
	[tilespmem:$0x1DC80] =	vst v63  }
0x80: {  	s20 =	sadd.s32 s24, s20  }
0x81: {  	[tilespmem:s31], [sflag:$0x5] =	stream.linear.gather [hbm4b:s20+s3], $0x50, $0x38;
	[tilespmem:$0x1DC80] =	vst v63  }
0x82: {  	_ =	swait.ge [sflag:s18], $0x50  }
0x83: {  	[sflag:s18] =	ssyncset.done $0x0  }
0x84: {  	[sflag:s18] =	ssyncadd.s32 $0xFFFFFFB0  }
0x85: {  	_ =	swait.ge [sflag:s18], $0x50  }
0x86: {  	[sflag:s18] =	ssyncset.done $0x0  }
0x87: {  	[sflag:s18] =	ssyncadd.s32 $0xFFFFFFB0  }
0x88: {  	[tilespmem:s19], [sflag:$0x4] =	stream.indirect.gather [hbm4b:s1+s13], $0x80, s11, s13, $0xb8;
	[tilespmem:$0x1DC80] =	vst v63  }
0x89: {  	_ =	swait.ge [sflag:s28], $0x2800  }
0x8a: {  	[sflag:s28] =	ssyncset.done $0x0  }
0x8b: {  	s22 =	simm.s32 $0x13A00;
	[sflag:s28] =	ssyncadd.s32 $0xFFFFD800  }
0x8c: {  	[spmem:s2] =	stream.indirect.scatter.add.f32 [tilespmem:s15], [sflag:$0x9], $0x80, s22, s13, $0xb8;
	[tilespmem:$0x1DC80] =	vst v63  }
0x8d: {  	p1 =	seq.s32 s5, $0x4B0;
	_ =	swait.ge [sflag:s29], $0x2800  }
0x8e: {  	s21 =	simm.s32 @!p1 $0x0;
	[sflag:s29] =	ssyncset.done $0x0  }
0x8f: {  	s20 =	sadd.s32 @!p1 s5, s25;
	s22 =	simm.s32 @!p1 $0x13980;
	[sflag:s29] =	ssyncadd.s32 $0xFFFFD800  }
0x90: {  	[tilespmem:s22], [sflag:$0x6] =	stream.linear.gather @!p1 [hbm4b:s20+s21], $0x50, $0x38;
	[tilespmem:$0x1DC80] =	vst v63  }
0x91: {  	s20 =	rddreg [dreg:$0x16]  }
0x92: {  	s22 =	simm.s32 @!p1 $0x13A00;
	s20 =	sadd.s32 @!p1 s5, s20  }
0x93: {  	[tilespmem:s22], [sflag:$0x6] =	stream.linear.gather @!p1 [hbm4b:s20+s21], $0x50, $0x38;
	[tilespmem:$0x1DC80] =	vst v63  }
0x94: {  	_ =	swait.ge [sflag:s26], $0x50  }
0x95: {  	[sflag:s26] =	ssyncset.done $0x0  }
0x96: {  	[sflag:s26] =	ssyncadd.s32 $0xFFFFFFB0  }
0x97: {  	_ =	swait.ge [sflag:s26], $0x50  }
0x98: {  	[sflag:s26] =	ssyncset.done $0x0  }
0x99: {  	[sflag:s26] =	ssyncadd.s32 $0xFFFFFFB0  }
0x9a: {  	[tilespmem:s14], [sflag:$0x1] =	stream.indirect.gather [hbm4b:s1+s13], $0x80, s30, s13, $0xb8;
	[tilespmem:$0x1DC80] =	vst v63  }
0x9b: {  	_ =	swait.ge [sflag:s6], $0x2800  }
0x9c: {  	[sflag:s6] =	ssyncset.done $0x0  }
.Ltmp2:
0x9d: {  	[sflag:s6] =	ssyncadd.s32 $0xFFFFD800;
	(pc) =	sbr.rel @p1 .LBB2_4-.Ltmp2, $4  }
0x9e: {  	[spmem:s2] =	stream.indirect.scatter.add.f32 [tilespmem:s16], [sflag:$0x9], $0x80, s10, s13, $0xb8;
	[tilespmem:$0x1DC80] =	vst v63  }
0x9f: {  	_ =	swait.ge [sflag:s29], $0x2800  }
0xa0: {  	[sflag:s29] =	ssyncset.done $0x0  }
0xa1: {  	[sflag:s29] =	ssyncadd.s32 $0xFFFFD800  }
0xa2: {  	s20 =	rddreg [dreg:$0x15]  }
0xa3: {  	s21 =	rddreg [dreg:$0x14];
	s20 =	sadd.s32 s5, s20  }
0xa4: {  	[tilespmem:s9], [sflag:$0x7] =	stream.linear.gather [hbm4b:s20+s3], $0x50, $0x38;
	[tilespmem:$0x1DC80] =	vst v63  }
0xa5: {  	s20 =	sadd.s32 s5, s21  }
0xa6: {  	[tilespmem:s10], [sflag:$0x7] =	stream.linear.gather [hbm4b:s20+s3], $0x50, $0x38;
	[tilespmem:$0x1DC80] =	vst v63  }
0xa7: {  	_ =	swait.ge [sflag:s0], $0x50  }
0xa8: {  	[sflag:s0] =	ssyncset.done $0x0  }
0xa9: {  	[sflag:s0] =	ssyncadd.s32 $0xFFFFFFB0  }
0xaa: {  	_ =	swait.ge [sflag:s0], $0x50  }
0xab: {  	[sflag:s0] =	ssyncset.done $0x0  }
0xac: {  	s22 =	simm.s32 $0x13980;
	[sflag:s0] =	ssyncadd.s32 $0xFFFFFFB0  }
0xad: {  	[tilespmem:s15], [sflag:$0x2] =	stream.indirect.gather [hbm4b:s1+s13], $0x80, s22, s13, $0xb8;
	[tilespmem:$0x1DC80] =	vst v63  }
0xae: {  	_ =	swait.ge [sflag:s8], $0x2800  }
0xaf: {  	[sflag:s8] =	ssyncset.done $0x0  }
0xb0: {  	[sflag:s8] =	ssyncadd.s32 $0xFFFFD800  }
0xb1: {  	[spmem:s2] =	stream.indirect.scatter.add.f32 [tilespmem:s19], [sflag:$0x9], $0x80, s12, s13, $0xb8;
	[tilespmem:$0x1DC80] =	vst v63  }
0xb2: {  	_ =	swait.ge [sflag:s29], $0x2800  }
0xb3: {  	[sflag:s29] =	ssyncset.done $0x0;
	s21 =	rddreg [dreg:$0x13]  }
0xb4: {  	s22 =	rddreg [dreg:$0x12];
	[sflag:s29] =	ssyncadd.s32 $0xFFFFD800;
	s20 =	sadd.s32 s5, s21  }
0xb5: {  	[tilespmem:s11], [sflag:$0x8] =	stream.linear.gather [hbm4b:s20+s3], $0x50, $0x38;
	[tilespmem:$0x1DC80] =	vst v63  }
0xb6: {  	s20 =	sadd.s32 s5, s22  }
0xb7: {  	[tilespmem:s12], [sflag:$0x8] =	stream.linear.gather [hbm4b:s20+s3], $0x50, $0x38;
	[tilespmem:$0x1DC80] =	vst v63  }
0xb8: {  	_ =	swait.ge [sflag:s7], $0x50  }
0xb9: {  	[sflag:s7] =	ssyncset.done $0x0  }
.Ltmp3:
0xba: {  	[sflag:s7] =	ssyncadd.s32 $0xFFFFFFB0;
	(pc) =	sbr.rel .LBB2_2-.Ltmp3, $4  }
0xbb: {  	_ =	swait.ge [sflag:s7], $0x50  }
0xbc: {  	[sflag:s7] =	ssyncset.done $0x0  }
0xbd: {  	s4 =	sadd.s32 $0x140, s4;
	s5 =	sadd.s32 $0x28, s5;
	[sflag:s7] =	ssyncadd.s32 $0xFFFFFFB0  }
0xbe: {  	[tilespmem:s16], [sflag:$0x3] =	stream.indirect.gather [hbm4b:s1+s13], $0x80, s9, s13, $0xb8;
	[tilespmem:$0x1DC80] =	vst v63  }
.LBB2_5:
0xbf: {  	_ =	sfence.sel $0x180000  }
0xc0: {  	[bflag:$0x0] =	sbarrier.arrive $0xFFFF  }
0xc1: {  	_ =	strace $0x90000047  }
0xc2: {  	[bflag:$0x2] =	sbarrier.arrive $0xFFFF  }
0xc3: {  	s0 =	rddreg [dreg:$0x3]  }
0xc4: {  	s0 =	sadd.s32 @!p0 $0x100000, s0  }
0xc5: {  	[sflag:s0] =	ssyncadd.tile.s32 @!p0 $0x1;
	_ =	shalt  }
.Lfunc_end2:
_tile_overlayer_lowered:
.L_overlay_start_2:
0xc6: {  	(tag) =	ssettag $0x2  }
0xc7: {  	s0 =	rddreg [dreg:$0x0];
	s2 =	stileid.u32  }
0xc8: {  	s1 =	rddreg [dreg:$0x1];
	p0 =	sne.s32 s2, $0x0  }
0xc9: {  	s3 =	rddreg [dreg:$0x2];
	[bflag:$0x3] =	sbarrier.arrive $0xFFFF;
	s2 =	simm.s32 @!p0 $0x1C09  }
0xca: {  	[timem:s3], [sflag:s2] =	dma.local @!p0 [hbm:s0], s1  }
0xcb: {  	s0 =	simm.s32 @!p0 $0x9  }
0xcc: {  	_ =	swait.ge @!p0 [sflag:s0], s1  }
0xcd: {  	s1 =	ssub.s32 @!p0 $0x0, s1;
	[sflag:s0] =	ssyncset.done @!p0 $0x0  }
0xce: {  	[sflag:s0] =	ssyncadd.s32 @!p0 s1  }
0xcf: {  	[bflag:$0x3] =	sbarrier.arrive $0xFFFF  }
0xd0: {  	_ =	shalt  }

// kernel: kernel.9.cloned.1.call-start
scs
__scs_entry_jumppad:
0x0: {  	(pc) =	sbr.rel $0x88, $3  }
0x1: {  	(tag) =	ssettag $0x0;
	lr =	simm.s32 $0x1  }
0x2: {  	[smem:$0x3F97] =	sst lr;
	_ =	strace $0xD0000000  }
0x3: {  	_ = 	snop  }
0x4: {  	_ = 	snop  }
0x5: {  	_ = 	snop  }
0x6: {  	_ = 	snop  }
0x7: {  	_ = 	snop  }
__scs_overlays_trampoline_lowered:
0x8: {  	[smem:$0x3FA6] =	sst s0  }
0x9: {  	[smem:$0x3FA7] =	sst s1  }
0xa: {  	[smem:$0x3FA8] =	sst s2  }
0xb: {  	[smem:$0x3FA9] =	sst s3  }
0xc: {  	[smem:$0x3FAA] =	sst s4  }
0xd: {  	[smem:$0x3FAB] =	sst s5  }
0xe: {  	[smem:$0x3FAC] =	sst s6  }
0xf: {  	[smem:$0x3FAD] =	sst s7  }
0x10: {  	[smem:$0x3FAE] =	sst s8  }
0x11: {  	[smem:$0x3FAF] =	sst s9;
	s0 =	simm.s32 @!p0 $0x0  }
0x12: {  	s1 =	sld [smem:$0x3F95];
	s0 =	simm.s32 @p0 $0x1  }
0x13: {  	[smem:$0x3FB0] =	sst s0;
	s0 =	simm.s32 @!p1 $0x0  }
0x14: {  	s2 =	sld [smem:$0x3F94];
	s0 =	simm.s32 @p1 $0x1  }
0x15: {  	[smem:$0x3FB1] =	sst s0;
	s0 =	simm.s32 @!p2 $0x0  }
0x16: {  	s3 =	sld [smem:$0x3FDB];
	s0 =	simm.s32 @p2 $0x1  }
0x17: {  	s4 =	simm.s32 $0x1BF5;
	[smem:$0x3FB3] =	sst s0  }
0x18: {  	s0 =	sld [smem:$0x3F96];
	_ =	swait.ge [sflag:s4], $0x0  }
0x19: {  	s7 =	sld [smem:$0x3F97]  }
0x1a: {  	s8 =	sadd.s32 $0xFFFFE003, lr  }
0x1b: {  	s9 =	sadd.s32 $0xFFFFFEF7, lr;
	s5 =	simm.s32 $0xFFFFFFFF;
	p2 =	slt.u32 s8, $0xFFFFF086  }
0x1c: {  	p1 =	slt.u32 s9, $0xF7A;
	s5 =	simm.s32 @!p2 $0x0  }
0x1d: {  	s5 =	simm.s32 @p1 $0x1;
	p0 =	seq.s32 s7, s2  }
0x1e: {  	s7 =	smul.u32 @!p0 $0xF7A, s2;
	p2 =	seq.s32 @!p0 s5, $0x0  }
0x1f: {  	s9 =	smul.u32 $0xF7A, s1;
	s8 =	simm.s32 @!p0 $0x1BF5;
	p2 =	por !p2, p0  }
0x20: {  	[sflag:s8] =	ssyncset.s32 @!p0 $0xFFFFF086;
	s6 =	sadd.s32 @!p0 s3, s7;
	s7 =	simm.s32 @!p0 $0x108  }
0x21: {  	s3 =	sadd.s32 s3, s9;
	s6 =	sadd.s32 @!p0 $0x88, s6;
	s7 =	simm.s32 @p2 $0x1082  }
0x22: {  	[simem:s7], [sflag:s8] =	dma.local @!p0 [hbm:s6], $0xF7A  }
0x23: {  	s9 =	sor.u32 $0xD0000000, s2;
	s6 =	simm.s32 $0x108;
	_ =	swait.ge @!p0 [sflag:s8], $0x0  }
0x24: {  	s3 =	sadd.s32 $0x88, s3;
	s6 =	simm.s32 @!p1 $0x1082;
	[sflag:s4] =	ssyncset.s32 $0xFFFFF086  }
0x25: {  	[simem:s6], [sflag:s4] =	dma.local [hbm:s3], $0xF7A  }
0x26: {  	[smem:$0x3F97] =	sst s1;
	(tag) =	ssettag s2;
	_ =	strace s9  }
0x27: {  	s1 =	sld [smem:$0x3FA7]  }
0x28: {  	s2 =	sld [smem:$0x3FA8]  }
0x29: {  	s4 =	sld [smem:$0x3FAA]  }
0x2a: {  	p0 =	seq.s32 s5, $0x0;
	s5 =	sld [smem:$0x3FAB]  }
0x2b: {  	s6 =	sld [smem:$0x3FAC]  }
0x2c: {  	s7 =	sld [smem:$0x3FAD]  }
0x2d: {  	s3 =	simm.s32 $0x108;
	s8 =	sld [smem:$0x3FAE]  }
0x2e: {  	s3 =	simm.s32 @!p0 $0x1082;
	s9 =	sld [smem:$0x3FAF]  }
0x2f: {  	lr =	sadd.s32 s0, s3;
	s0 =	sld [smem:$0x3FA6]  }
0x30: {  	s3 =	sld [smem:$0x3FA9]  }
0x31: {  	[smem:$0x3FB2] =	sst s10  }
0x32: {  	s10 =	sld [smem:$0x3FB0];
	_ =	sdelay $0x3  }
0x33: {  	p0 =	seq.s32 s10, $0x1;
	s10 =	sld [smem:$0x3FB2];
	_ =	sdelay $0x3  }
0x34: {  	[smem:$0x3FB2] =	sst s10  }
0x35: {  	s10 =	sld [smem:$0x3FB1];
	_ =	sdelay $0x3  }
0x36: {  	p1 =	seq.s32 s10, $0x1;
	s10 =	sld [smem:$0x3FB2];
	_ =	sdelay $0x3  }
0x37: {  	[smem:$0x3FB2] =	sst s10  }
0x38: {  	s10 =	sld [smem:$0x3FB3]  }
0x39: {  	_ = 	snop;
	(pc) =	sbr.ind lr, $3  }
0x3a: {  	_ = 	snop  }
0x3b: {  	_ = 	snop  }
0x3c: {  	p2 =	seq.s32 s10, $0x1;
	s10 =	sld [smem:$0x3FB2]  }
0x3d: {  	_ =	shalt  }
0x3e: {  	_ =	shalt  }
0x3f: {  	_ =	shalt  }
0x40: {  	_ =	shalt  }
0x41: {  	_ =	shalt  }
0x42: {  	_ =	shalt  }
0x43: {  	_ =	shalt  }
0x44: {  	_ =	shalt  }
0x45: {  	_ =	shalt  }
0x46: {  	_ =	shalt  }
0x47: {  	_ =	shalt  }
0x48: {  	_ =	shalt  }
0x49: {  	_ =	shalt  }
0x4a: {  	_ =	shalt  }
0x4b: {  	_ =	shalt  }
0x4c: {  	_ =	shalt  }
0x4d: {  	_ =	shalt  }
0x4e: {  	_ =	shalt  }
0x4f: {  	_ =	shalt  }
0x50: {  	_ =	shalt  }
0x51: {  	_ =	shalt  }
0x52: {  	_ =	shalt  }
0x53: {  	_ =	shalt  }
0x54: {  	_ =	shalt  }
0x55: {  	_ =	shalt  }
0x56: {  	_ =	shalt  }
0x57: {  	_ =	shalt  }
0x58: {  	_ =	shalt  }
0x59: {  	_ =	shalt  }
0x5a: {  	_ =	shalt  }
0x5b: {  	_ =	shalt  }
0x5c: {  	_ =	shalt  }
0x5d: {  	_ =	shalt  }
0x5e: {  	_ =	shalt  }
0x5f: {  	_ =	shalt  }
0x60: {  	_ =	shalt  }
0x61: {  	_ =	shalt  }
0x62: {  	_ =	shalt  }
0x63: {  	_ =	shalt  }
0x64: {  	_ =	shalt  }
0x65: {  	_ =	shalt  }
0x66: {  	_ =	shalt  }
0x67: {  	_ =	shalt  }
0x68: {  	_ =	shalt  }
0x69: {  	_ =	shalt  }
0x6a: {  	_ =	shalt  }
0x6b: {  	_ =	shalt  }
0x6c: {  	_ =	shalt  }
0x6d: {  	_ =	shalt  }
0x6e: {  	_ =	shalt  }
0x6f: {  	_ =	shalt  }
0x70: {  	_ =	shalt  }
0x71: {  	_ =	shalt  }
0x72: {  	_ =	shalt  }
0x73: {  	_ =	shalt  }
0x74: {  	_ =	shalt  }
0x75: {  	_ =	shalt  }
0x76: {  	_ =	shalt  }
0x77: {  	_ =	shalt  }
0x78: {  	_ =	shalt  }
0x79: {  	_ =	shalt  }
0x7a: {  	_ =	shalt  }
0x7b: {  	_ =	shalt  }
0x7c: {  	_ =	shalt  }
0x7d: {  	_ =	shalt  }
0x7e: {  	_ =	shalt  }
0x7f: {  	_ =	shalt  }
0x80: {  	_ =	shalt  }
0x81: {  	_ =	shalt  }
0x82: {  	_ =	shalt  }
0x83: {  	_ =	shalt  }
0x84: {  	_ =	shalt  }
0x85: {  	_ =	shalt  }
0x86: {  	_ =	shalt  }
0x87: {  	_ =	shalt  }
.Lfunc_end0:
.L_simem_size_0:
called_computation.1_lowered:
.L_overlay_start_0:
0x88: {  	s2 =	sld [smem:$0x3FD9]  }
0x89: {  	s3 =	sld [smem:$0x3FFE];
	_ =	sdelay $0x1  }
0x8a: {  	s1 =	srdreg.scid  }
0x8b: {  	s0 =	sand.u32 $0x1, s1  }
0x8c: {  	s17 =	sshll.u32 s0, $0xA;
	s2 =	sadd.s32 s3, s2  }
0x8d: {  	s2 =	sadd.s32 s2, s17  }
0x8e: {  	[smem:$0x3FBE] =	sst s2  }
0x8f: {  	_ = 	snop  }
0x90: {  	s2 =	sld [smem:$0x3FD0];
	(tm) =	ssettm $0x1  }
0x91: {  	s18 =	sld [smem:$0x3FFB];
	_ =	sdelay $0x3  }
0x92: {  	_ =	strace s18  }
0x93: {  	s3 =	sld [smem:$0x3FFC];
	_ =	sdelay $0x3  }
0x94: {  	_ =	strace s3  }
0x95: {  	s3 =	sld [smem:$0x3FFD];
	_ =	sdelay $0x3  }
0x96: {  	_ =	strace s3  }
0x97: {  	_ =	strace $0x8FFFFFFF  }
0x98: {  	s19 =	sld [smem:$0x3FDB];
	_ =	sdelay $0x1  }
0x99: {  	s4 =	simm.s32 $_scs_section_size  }
0x9a: {  	s5 =	simm.s32 $_size__tile_overlayer_lowered;
	s6 =	simm.s32 $_tile_overlayer_lowered  }
0x9b: {  	s22 =	simm.s32 $0x1BFF;
	s21 =	sshll.u32 s6, $0x1;
	s3 =	sadd.s32 s4, s19  }
0x9c: {  	s7 =	simm.s32 $0x0;
	s20 =	sshll.u32 s5, $0x1;
	s5 =	sadd.s32 s21, s3  }
0x9d: {  	[timem:s7], [sflag:s22] =	dma.local [hbm:s5], s20  }
0x9e: {  	_ =	swait.ge [sflag:s22], s20  }
0x9f: {  	s4 =	ssub.s32 $0x0, s20;
	[sflag:s22] =	ssyncset.done $0x0  }
0xa0: {  	[sflag:s22] =	ssyncadd.s32 s4;
	_ =	sdelay $0x1  }
0xa1: {  	s23 =	simm.s32 $0x1B8B  }
0xa2: {  	_ =	swait.ge [sflag:s23], $0x1  }
0xa3: {  	[sflag:s23] =	ssyncset.done $0x0  }
0xa4: {  	s25 =	simm.s32 $0x1B8E;
	s24 =	sld [smem:$0x3FFE];
	[sflag:s23] =	ssyncadd.s32 $0xFFFFFFFF  }
0xa5: {  	s26 =	simm.s32 $execute0_lowered;
	[smem:$0x3FD2] =	sst s25  }
0xa6: {  	s5 =	sshll.u32 s26, $0x1;
	_ =	strace $0x80000049;
	[dreg:$0x1] =	wrdreg $0xFFFFFFFF  }
0xa7: {  	s28 =	simm.s32 $_size_execute0_lowered;
	s3 =	sadd.s32 s3, s5;
	[dreg:$0x0] =	wrdreg $0x0  }
0xa8: {  	s5 =	sshll.u32 s28, $0x1;
	[dreg:$0x2] =	wrdreg s3  }
0xa9: {  	[dreg:$0x3] =	wrdreg s5  }
0xaa: {  	[dreg:$0x4] =	wrdreg $0xC0  }
0xab: {  	_ =	task [dreg:s7], $0x5FFFF  }
0xac: {  	[dreg:$0x1] =	wrdreg $0xFFFFFFFF  }
0xad: {  	[dreg:$0x0] =	wrdreg $0x60  }
0xae: {  	[dreg:$0x2] =	wrdreg s2  }
0xaf: {  	[dreg:$0x3] =	wrdreg s24  }
0xb0: {  	[dreg:$0x4] =	wrdreg $0x0  }
0xb1: {  	[dreg:$0x5] =	wrdreg $0x9  }
0xb2: {  	_ =	task.clear_ibuf [dreg:s7], $0x6FFFF;
	_ =	strace $0x90000049  }
0xb3: {  	s29 =	simm.s32 $0x9;
	_ =	strace $0x8000004B  }
0xb4: {  	_ =	swait.ge [sflag:s29], $0x1  }
0xb5: {  	[sflag:s29] =	ssyncadd.s32 $0xFFFFFFFF  }
0xb6: {  	_ =	strace $0x9000004B  }
0xb7: {  	_ =	sfence  }
0xb8: {  	s30 =	sld [smem:$0x0];
	_ =	sdelay $0x2  }
0xb9: {  	s31 =	sshll.u32 s1, $0xD;
	s1 =	sshrl.u32 s1, $0x2  }
0xba: {  	s3 =	sand.u32 $0x4000, s31;
	s1 =	sadd.s32 s1, s30  }
0xbb: {  	s0 =	sor.u32 s3, s0;
	s1 =	sshll.u32 s1, $0x11  }
0xbc: {  	s0 =	sor.u32 s1, s0  }
0xbd: {  	s0 =	sadd.s32 $0x8F2B, s0  }
0xbe: {  	[sflag:s0] =	ssyncadd.remote.s32 $0x1  }
0xbf: {  	_ =	sfence.sel $0xFFFF  }
0xc0: {  	[dreg:$0x0] =	wrdreg $0xFFFFFFFF;
	(pc) =	sbr.abs _section_cstart, $3  }
0xc1: {  	[dreg:$0x1] =	wrdreg $0xFFFFFFFF  }
0xc2: {  	_ =	task.clear_ibuf [dreg:s7], $0x2FFFF;
	_ =	strace $0x9FFFFFFF  }
0xc3: {  	(tm) =	ssettm $0x7FFFFFFF  }
tec
execute0_lowered:
.L_overlay_start_1:
0x0: {  	(tag) =	ssettag $0x1  }
0x1: {  	s1 =	rddreg [dreg:$0x0]  }
0x2: {  	s0 =	rddreg [dreg:$0x1]  }
0x3: {  	s2 =	rddreg [dreg:$0x2]  }
0x4: {  	s3 =	simm.s32 $0x0;
	s4 =	srdreg.scid;
	s5 =	stileid.u32  }
0x5: {  	s29 =	simm.s32 $0x9;
	s30 =	simm.s32 $0x13880;
	s31 =	simm.s32 $0x13900  }
0x6: {  	s28 =	simm.s32 $0x2;
	[smem:$0x7FF] =	sst s3;
	s4 =	sand.u32 $0x1, s4  }
0x7: {  	s6 =	sshll.u32 s5, $0x1;
	s12 =	sadd.s32 $0xCE00, s0;
	s9 =	smul.u32 $0x4E000, s5  }
0x8: {  	s13 =	sadd.s32 $0x3000, s0;
	s10 =	sadd.s32 $0x16C00, s0;
	s11 =	smul.u32 $0x13800, s5  }
0x9: {  	s0 =	sadd.s32 $0x19400, s0;
	s16 =	sshll.u32 s5, $0x6;
	s25 =	smul.u32 $0x4E20, s5  }
0xa: {  	p0 =	sne.s32 s5, $0x0;
	_ =	strace $0x8000004A;
	s21 =	smul.u32 $0x138800, s4  }
0xb: {  	s6 =	sor.u32 s4, s6;
	s7 =	ssub.s32 $0x2, s4;
	s4 =	smul.u32 $0x2710, s4  }
0xc: {  	[dreg:$0x4] =	wrdreg s10;
	s20 =	sor.u32 $0x1C09, s16;
	s6 =	smul.u32 $0x2710, s6  }
0xd: {  	s8 =	sshrl.u32 s7, $0x1;
	s15 =	sshrl.u32 s9, $0x2;
	[dreg:$0x6] =	wrdreg s20  }
0xe: {  	s7 =	ssub.s32 s7, s8;
	s8 =	sadd.s32 s15, s2;
	s9 =	sshrl.u32 s21, $0x3  }
0xf: {  	s6 =	sshrl.u32 s6, $0x3;
	[dreg:$0x5] =	wrdreg s8;
	s14 =	smax.u32 s7, $0x1  }
0x10: {  	s4 =	sadd.s32 s4, s25;
	s17 =	sadd.s32 s12, s6;
	[dreg:$0x11] =	wrdreg s14  }
0x11: {  	s18 =	sadd.s32 s13, s6;
	s19 =	sadd.s32 $0xA, s6;
	[dreg:$0x7] =	wrdreg s17  }
0x12: {  	s16 =	sadd.s32 $0x1E0, s4;
	[dreg:$0x8] =	wrdreg s18;
	s22 =	sadd.s32 s12, s19  }
0x13: {  	s23 =	sadd.s32 $0x14, s6;
	s8 =	sadd.s32 s13, s19;
	[dreg:$0x9] =	wrdreg s22  }
0x14: {  	s7 =	simm.s32 $0x7;
	s24 =	sadd.s32 s12, s23;
	[dreg:$0xa] =	wrdreg s8  }
0x15: {  	s6 =	sadd.s32 $0x1E, s6;
	s10 =	sadd.s32 s13, s23;
	[dreg:$0xb] =	wrdreg s24  }
0x16: {  	s14 =	simm.s32 $0x13C80;
	s26 =	sadd.s32 s12, s6;
	[dreg:$0xc] =	wrdreg s10  }
0x17: {  	s6 =	sadd.s32 s13, s6;
	s17 =	sadd.s32 $0x190, s4;
	[dreg:$0xd] =	wrdreg s26  }
0x18: {  	s23 =	smov.u32 s12;
	[dreg:$0xe] =	wrdreg s6;
	s10 =	sadd.s32 s11, s21  }
0x19: {  	s11 =	sadd.s32 $0x230, s4;
	s19 =	sshrl.u32 s17, $0x3;
	s24 =	smov.u32 s13  }
0x1a: {  	s22 =	sadd.s32 $0x140, s4;
	s26 =	sadd.s32 $0x138000, s2;
	s17 =	simm.s32 $0x1  }
0x1b: {  	s8 =	simm.s32 $0x4;
	s6 =	sshrl.u32 s10, $0x3;
	s15 =	sshrl.u32 s11, $0x3  }
0x1c: {  	s21 =	sadd.s32 s19, s13;
	s25 =	sadd.s32 s19, s12;
	[dreg:$0x17] =	wrdreg s22  }
0x1d: {  	[dreg:$0x18] =	wrdreg s26;
	s10 =	simm.s32 $0x13B00;
	s11 =	simm.s32 $0x13B80  }
0x1e: {  	s6 =	sadd.s32 s0, s6;
	s0 =	sadd.s32 s0, s9;
	[dreg:$0x16] =	wrdreg s21  }
0x1f: {  	s19 =	simm.s32 $0x1B480;
	[dreg:$0xf] =	wrdreg s6;
	s0 =	sadd.s32 $0x27000, s0  }
0x20: {  	s26 =	simm.s32 $0x5;
	s6 =	sadd.s32 s15, s13;
	[dreg:$0x10] =	wrdreg s0  }
0x21: {  	s9 =	simm.s32 $0x13A80;
	s21 =	simm.s32 $0x0;
	[dreg:$0x12] =	wrdreg s6  }
.Ltmp0:
0x22: {  	s0 =	sadd.s32 s15, s12;
	s15 =	simm.s32 $0x16480;
	(pc) =	sbr.rel .LBB2_1-.Ltmp0, $4  }
0x23: {  	s6 =	simm.s32 $0x3;
	[dreg:$0x13] =	wrdreg s0;
	s0 =	sshrl.u32 s16, $0x3  }
0x24: {  	s16 =	simm.s32 $0x18C80;
	s18 =	sadd.s32 s0, s13;
	s0 =	sadd.s32 s0, s12  }
0x25: {  	s12 =	simm.s32 $0x13C00;
	s13 =	simm.s32 $0x50;
	[dreg:$0x14] =	wrdreg s18  }
0x26: {  	[dreg:$0x15] =	wrdreg s0;
	s18 =	simm.s32 $0x8;
	s0 =	simm.s32 $0x6  }
.LBB2_4:
0x27: {  	_ =	swait.ge [sflag:s8], $0x2800  }
0x28: {  	[sflag:s8] =	ssyncset.done $0x0  }
0x29: {  	[sflag:s8] =	ssyncadd.s32 $0xFFFFD800  }
0x2a: {  	[spmem:s2] =	stream.indirect.scatter.add.f32 [tilespmem:s19], [sflag:$0x9], $0x80, s12, s13, $0xb8;
	[tilespmem:$0x1DC80] =	vst v63  }
0x2b: {  	_ =	swait.ge [sflag:s29], $0x2800  }
0x2c: {  	[sflag:s29] =	ssyncset.done $0x0  }
0x2d: {  	[sflag:s29] =	ssyncadd.s32 $0xFFFFD800  }
0x2e: {  	_ =	swait.ge [sflag:s17], $0x2800  }
0x2f: {  	[sflag:s17] =	ssyncset.done $0x0  }
0x30: {  	[sflag:s17] =	ssyncadd.s32 $0xFFFFD800  }
0x31: {  	[spmem:s2] =	stream.indirect.scatter.add.f32 [tilespmem:s14], [sflag:$0x9], $0x80, s31, s13, $0xb8;
	[tilespmem:$0x1DC80] =	vst v63  }
0x32: {  	_ =	swait.ge [sflag:s29], $0x2800  }
0x33: {  	[sflag:s29] =	ssyncset.done $0x0  }
0x34: {  	[sflag:s29] =	ssyncadd.s32 $0xFFFFD800  }
0x35: {  	[bflag:$0x0] =	sbarrier.arrive $0xFFFF  }
0x36: {  	s20 =	rddreg [dreg:$0x6]  }
0x37: {  	s4 =	rddreg [dreg:$0xf]  }
0x38: {  	s5 =	rddreg [dreg:$0x1a]  }
0x39: {  	[hbm:s4], [sflag:s20] =	dma.local [spmem:s5], $0x2700  }
0x3a: {  	_ =	swait.ge [sflag:s29], $0x2700  }
0x3b: {  	[sflag:s29] =	ssyncset.done $0x0;
	s4 =	rddreg [dreg:$0x10]  }
0x3c: {  	s5 =	rddreg [dreg:$0x1b];
	[sflag:s29] =	ssyncadd.s32 $0xFFFFD900  }
0x3d: {  	[hbm:s4], [sflag:s20] =	dma.local @!p0 [spmem:s5], $0x100  }
0x3e: {  	s4 =	simm.s32 @!p0 $0x9  }
0x3f: {  	_ =	swait.ge @!p0 [sflag:s4], $0x100  }
0x40: {  	s21 =	rddreg [dreg:$0x19]  }
0x41: {  	s22 =	rddreg [dreg:$0x11];
	s21 =	sadd.s32 $0x1, s21  }
0x42: {  	p1 =	sne.s32 s21, s22  }
.Ltmp1:
0x43: {  	_ = 	snop;
	(pc) =	sbr.rel @!p1 .LBB2_5-.Ltmp1, $3  }
0x44: {  	_ =	sdelay $0x1  }
0x45: {  	[sflag:s4] =	ssyncset.done @!p0 $0x0  }
0x46: {  	[sflag:s4] =	ssyncadd.s32 @!p0 $0xFFFFFF00  }
.LBB2_1:
0x47: {  	[dreg:$0x19] =	wrdreg s21  }
0x48: {  	s4 =	rddreg [dreg:$0x5]  }
0x49: {  	s5 =	sshrl.u32 s4, $0x3;
	s4 =	rddreg [dreg:$0x4]  }
0x4a: {  	[dreg:$0x1a] =	wrdreg s5  }
0x4b: {  	[spmem:s5], [sflag:s20] =	dma.local [hbm:s4], $0x2700  }
0x4c: {  	_ =	swait.ge [sflag:s29], $0x2700  }
0x4d: {  	s5 =	rddreg [dreg:$0x18]  }
0x4e: {  	[sflag:s29] =	ssyncset.done $0x0;
	s5 =	sshrl.u32 @!p0 s5, $0x3  }
0x4f: {  	[sflag:s29] =	ssyncadd.s32 $0xFFFFD900;
	[dreg:$0x1b] =	wrdreg s5  }
0x50: {  	[spmem:s5], [sflag:s20] =	dma.local @!p0 [hbm:s4], $0x100  }
0x51: {  	s4 =	simm.s32 @!p0 $0x9  }
0x52: {  	_ =	swait.ge @!p0 [sflag:s4], $0x100  }
0x53: {  	[sflag:s4] =	ssyncset.done @!p0 $0x0  }
0x54: {  	[sflag:s4] =	ssyncadd.s32 @!p0 $0xFFFFFF00  }
0x55: {  	[bflag:$0x0] =	sbarrier.arrive $0xFFFF  }
0x56: {  	s20 =	rddreg [dreg:$0x7]  }
0x57: {  	[tilespmem:s30], [sflag:$0x9] =	stream.linear.gather [hbm4b:s20+s3], $0x50, $0x38;
	[tilespmem:$0x1DC80] =	vst v63  }
0x58: {  	_ =	swait.ge [sflag:s29], $0x50  }
0x59: {  	[sflag:s29] =	ssyncset.done $0x0  }
0x5a: {  	s21 =	rddreg [dreg:$0x8];
	[sflag:s29] =	ssyncadd.s32 $0xFFFFFFB0  }
0x5b: {  	[tilespmem:s31], [sflag:$0x9] =	stream.linear.gather [hbm4b:s21+s3], $0x50, $0x38;
	[tilespmem:$0x1DC80] =	vst v63  }
0x5c: {  	_ =	swait.ge [sflag:s29], $0x50  }
0x5d: {  	[sflag:s29] =	ssyncset.done $0x0  }
0x5e: {  	s5 =	simm.s32 $0x13980;
	s22 =	rddreg [dreg:$0x9];
	[sflag:s29] =	ssyncadd.s32 $0xFFFFFFB0  }
0x5f: {  	[tilespmem:s5], [sflag:$0x9] =	stream.linear.gather [hbm4b:s22+s3], $0x50, $0x38;
	[tilespmem:$0x1DC80] =	vst v63  }
0x60: {  	_ =	swait.ge [sflag:s29], $0x50  }
0x61: {  	[sflag:s29] =	ssyncset.done $0x0  }
0x62: {  	s21 =	simm.s32 $0x13A00;
	s20 =	rddreg [dreg:$0xa];
	[sflag:s29] =	ssyncadd.s32 $0xFFFFFFB0  }
0x63: {  	[tilespmem:s21], [sflag:$0x9] =	stream.linear.gather [hbm4b:s20+s3], $0x50, $0x38;
	[tilespmem:$0x1DC80] =	vst v63  }
0x64: {  	_ =	swait.ge [sflag:s29], $0x50  }
0x65: {  	[sflag:s29] =	ssyncset.done $0x0  }
0x66: {  	s22 =	rddreg [dreg:$0xb];
	[sflag:s29] =	ssyncadd.s32 $0xFFFFFFB0  }
0x67: {  	[tilespmem:s9], [sflag:$0x9] =	stream.linear.gather [hbm4b:s22+s3], $0x50, $0x38;
	[tilespmem:$0x1DC80] =	vst v63  }
0x68: {  	_ =	swait.ge [sflag:s29], $0x50  }
0x69: {  	[sflag:s29] =	ssyncset.done $0x0  }
0x6a: {  	s20 =	rddreg [dreg:$0xc];
	[sflag:s29] =	ssyncadd.s32 $0xFFFFFFB0  }
0x6b: {  	[tilespmem:s10], [sflag:$0x9] =	stream.linear.gather [hbm4b:s20+s3], $0x50, $0x38;
	[tilespmem:$0x1DC80] =	vst v63  }
0x6c: {  	_ =	swait.ge [sflag:s29], $0x50  }
0x6d: {  	[sflag:s29] =	ssyncset.done $0x0  }
0x6e: {  	s21 =	rddreg [dreg:$0xd];
	[sflag:s29] =	ssyncadd.s32 $0xFFFFFFB0  }
0x6f: {  	[tilespmem:s11], [sflag:$0x8] =	stream.linear.gather [hbm4b:s21+s3], $0x50, $0x38;
	[tilespmem:$0x1DC80] =	vst v63  }
0x70: {  	s22 =	rddreg [dreg:$0xe]  }
0x71: {  	[tilespmem:s12], [sflag:$0x8] =	stream.linear.gather [hbm4b:s22+s3], $0x50, $0x38;
	[tilespmem:$0x1DC80] =	vst v63  }
0x72: {  	_ = 	snop  }
0x73: {  	[tilespmem:s14], [sflag:$0x1] =	stream.indirect.gather [hbm4b:s1+s13], $0x80, s30, s13, $0xb8;
	[tilespmem:$0x1DC80] =	vst v63  }
0x74: {  	_ = 	snop  }
0x75: {  	[tilespmem:s15], [sflag:$0x2] =	stream.indirect.gather [hbm4b:s1+s13], $0x80, s5, s13, $0xb8;
	[tilespmem:$0x1DC80] =	vst v63  }
0x76: {  	s4 =	rddreg [dreg:$0x17];
	s5 =	simm.s32 $0x0  }
0x77: {  	[tilespmem:s16], [sflag:$0x3] =	stream.indirect.gather [hbm4b:s1+s13], $0x80, s9, s13, $0xb8;
	[tilespmem:$0x1DC80] =	vst v63  }
.LBB2_2:
0x78: {  	_ =	swait.ge [sflag:s17], $0x2800  }
0x79: {  	[sflag:s17] =	ssyncset.done $0x0  }
0x7a: {  	[sflag:s17] =	ssyncadd.s32 $0xFFFFD800  }
0x7b: {  	[spmem:s2] =	stream.indirect.scatter.add.f32 [tilespmem:s14], [sflag:$0x9], $0x80, s31, s13, $0xb8;
	[tilespmem:$0x1DC80] =	vst v63  }
0x7c: {  	_ =	swait.ge [sflag:s29], $0x2800  }
0x7d: {  	s20 =	sshrl.u32 s4, $0x3;
	[sflag:s29] =	ssyncset.done $0x0  }
0x7e: {  	s21 =	sadd.s32 s23, s20;
	[sflag:s29] =	ssyncadd.s32 $0xFFFFD800  }
0x7f: {  	[tilespmem:s30], [sflag:$0x5] =	stream.linear.gather [hbm4b:s21+s3], $0x50, $0x38;
	[tilespmem:$0x1DC80] =	vst v63  }
0x80: {  	s20 =	sadd.s32 s24, s20  }
0x81: {  	[tilespmem:s31], [sflag:$0x5] =	stream.linear.gather [hbm4b:s20+s3], $0x50, $0x38;
	[tilespmem:$0x1DC80] =	vst v63  }
0x82: {  	_ =	swait.ge [sflag:s18], $0x50  }
0x83: {  	[sflag:s18] =	ssyncset.done $0x0  }
0x84: {  	[sflag:s18] =	ssyncadd.s32 $0xFFFFFFB0  }
0x85: {  	_ =	swait.ge [sflag:s18], $0x50  }
0x86: {  	[sflag:s18] =	ssyncset.done $0x0  }
0x87: {  	[sflag:s18] =	ssyncadd.s32 $0xFFFFFFB0  }
0x88: {  	[tilespmem:s19], [sflag:$0x4] =	stream.indirect.gather [hbm4b:s1+s13], $0x80, s11, s13, $0xb8;
	[tilespmem:$0x1DC80] =	vst v63  }
0x89: {  	_ =	swait.ge [sflag:s28], $0x2800  }
0x8a: {  	[sflag:s28] =	ssyncset.done $0x0  }
0x8b: {  	s22 =	simm.s32 $0x13A00;
	[sflag:s28] =	ssyncadd.s32 $0xFFFFD800  }
0x8c: {  	[spmem:s2] =	stream.indirect.scatter.add.f32 [tilespmem:s15], [sflag:$0x9], $0x80, s22, s13, $0xb8;
	[tilespmem:$0x1DC80] =	vst v63  }
0x8d: {  	p1 =	seq.s32 s5, $0x4B0;
	_ =	swait.ge [sflag:s29], $0x2800  }
0x8e: {  	s21 =	simm.s32 @!p1 $0x0;
	[sflag:s29] =	ssyncset.done $0x0  }
0x8f: {  	s20 =	sadd.s32 @!p1 s5, s25;
	s22 =	simm.s32 @!p1 $0x13980;
	[sflag:s29] =	ssyncadd.s32 $0xFFFFD800  }
0x90: {  	[tilespmem:s22], [sflag:$0x6] =	stream.linear.gather @!p1 [hbm4b:s20+s21], $0x50, $0x38;
	[tilespmem:$0x1DC80] =	vst v63  }
0x91: {  	s20 =	rddreg [dreg:$0x16]  }
0x92: {  	s22 =	simm.s32 @!p1 $0x13A00;
	s20 =	sadd.s32 @!p1 s5, s20  }
0x93: {  	[tilespmem:s22], [sflag:$0x6] =	stream.linear.gather @!p1 [hbm4b:s20+s21], $0x50, $0x38;
	[tilespmem:$0x1DC80] =	vst v63  }
0x94: {  	_ =	swait.ge [sflag:s26], $0x50  }
0x95: {  	[sflag:s26] =	ssyncset.done $0x0  }
0x96: {  	[sflag:s26] =	ssyncadd.s32 $0xFFFFFFB0  }
0x97: {  	_ =	swait.ge [sflag:s26], $0x50  }
0x98: {  	[sflag:s26] =	ssyncset.done $0x0  }
0x99: {  	[sflag:s26] =	ssyncadd.s32 $0xFFFFFFB0  }
0x9a: {  	[tilespmem:s14], [sflag:$0x1] =	stream.indirect.gather [hbm4b:s1+s13], $0x80, s30, s13, $0xb8;
	[tilespmem:$0x1DC80] =	vst v63  }
0x9b: {  	_ =	swait.ge [sflag:s6], $0x2800  }
0x9c: {  	[sflag:s6] =	ssyncset.done $0x0  }
.Ltmp2:
0x9d: {  	[sflag:s6] =	ssyncadd.s32 $0xFFFFD800;
	(pc) =	sbr.rel @p1 .LBB2_4-.Ltmp2, $4  }
0x9e: {  	[spmem:s2] =	stream.indirect.scatter.add.f32 [tilespmem:s16], [sflag:$0x9], $0x80, s10, s13, $0xb8;
	[tilespmem:$0x1DC80] =	vst v63  }
0x9f: {  	_ =	swait.ge [sflag:s29], $0x2800  }
0xa0: {  	[sflag:s29] =	ssyncset.done $0x0  }
0xa1: {  	[sflag:s29] =	ssyncadd.s32 $0xFFFFD800  }
0xa2: {  	s20 =	rddreg [dreg:$0x15]  }
0xa3: {  	s21 =	rddreg [dreg:$0x14];
	s20 =	sadd.s32 s5, s20  }
0xa4: {  	[tilespmem:s9], [sflag:$0x7] =	stream.linear.gather [hbm4b:s20+s3], $0x50, $0x38;
	[tilespmem:$0x1DC80] =	vst v63  }
0xa5: {  	s20 =	sadd.s32 s5, s21  }
0xa6: {  	[tilespmem:s10], [sflag:$0x7] =	stream.linear.gather [hbm4b:s20+s3], $0x50, $0x38;
	[tilespmem:$0x1DC80] =	vst v63  }
0xa7: {  	_ =	swait.ge [sflag:s0], $0x50  }
0xa8: {  	[sflag:s0] =	ssyncset.done $0x0  }
0xa9: {  	[sflag:s0] =	ssyncadd.s32 $0xFFFFFFB0  }
0xaa: {  	_ =	swait.ge [sflag:s0], $0x50  }
0xab: {  	[sflag:s0] =	ssyncset.done $0x0  }
0xac: {  	s22 =	simm.s32 $0x13980;
	[sflag:s0] =	ssyncadd.s32 $0xFFFFFFB0  }
0xad: {  	[tilespmem:s15], [sflag:$0x2] =	stream.indirect.gather [hbm4b:s1+s13], $0x80, s22, s13, $0xb8;
	[tilespmem:$0x1DC80] =	vst v63  }
0xae: {  	_ =	swait.ge [sflag:s8], $0x2800  }
0xaf: {  	[sflag:s8] =	ssyncset.done $0x0  }
0xb0: {  	[sflag:s8] =	ssyncadd.s32 $0xFFFFD800  }
0xb1: {  	[spmem:s2] =	stream.indirect.scatter.add.f32 [tilespmem:s19], [sflag:$0x9], $0x80, s12, s13, $0xb8;
	[tilespmem:$0x1DC80] =	vst v63  }
0xb2: {  	_ =	swait.ge [sflag:s29], $0x2800  }
0xb3: {  	[sflag:s29] =	ssyncset.done $0x0;
	s21 =	rddreg [dreg:$0x13]  }
0xb4: {  	s22 =	rddreg [dreg:$0x12];
	[sflag:s29] =	ssyncadd.s32 $0xFFFFD800;
	s20 =	sadd.s32 s5, s21  }
0xb5: {  	[tilespmem:s11], [sflag:$0x8] =	stream.linear.gather [hbm4b:s20+s3], $0x50, $0x38;
	[tilespmem:$0x1DC80] =	vst v63  }
0xb6: {  	s20 =	sadd.s32 s5, s22  }
0xb7: {  	[tilespmem:s12], [sflag:$0x8] =	stream.linear.gather [hbm4b:s20+s3], $0x50, $0x38;
	[tilespmem:$0x1DC80] =	vst v63  }
0xb8: {  	_ =	swait.ge [sflag:s7], $0x50  }
0xb9: {  	[sflag:s7] =	ssyncset.done $0x0  }
.Ltmp3:
0xba: {  	[sflag:s7] =	ssyncadd.s32 $0xFFFFFFB0;
	(pc) =	sbr.rel .LBB2_2-.Ltmp3, $4  }
0xbb: {  	_ =	swait.ge [sflag:s7], $0x50  }
0xbc: {  	[sflag:s7] =	ssyncset.done $0x0  }
0xbd: {  	s4 =	sadd.s32 $0x140, s4;
	s5 =	sadd.s32 $0x28, s5;
	[sflag:s7] =	ssyncadd.s32 $0xFFFFFFB0  }
0xbe: {  	[tilespmem:s16], [sflag:$0x3] =	stream.indirect.gather [hbm4b:s1+s13], $0x80, s9, s13, $0xb8;
	[tilespmem:$0x1DC80] =	vst v63  }
.LBB2_5:
0xbf: {  	_ =	sfence.sel $0x180000  }
0xc0: {  	[bflag:$0x0] =	sbarrier.arrive $0xFFFF  }
0xc1: {  	_ =	strace $0x9000004A  }
0xc2: {  	[bflag:$0x2] =	sbarrier.arrive $0xFFFF  }
0xc3: {  	s0 =	rddreg [dreg:$0x3]  }
0xc4: {  	s0 =	sadd.s32 @!p0 $0x100000, s0  }
0xc5: {  	[sflag:s0] =	ssyncadd.tile.s32 @!p0 $0x1;
	_ =	shalt  }
.Lfunc_end2:
_tile_overlayer_lowered:
.L_overlay_start_2:
0xc6: {  	(tag) =	ssettag $0x2  }
0xc7: {  	s0 =	rddreg [dreg:$0x0];
	s2 =	stileid.u32  }
0xc8: {  	s1 =	rddreg [dreg:$0x1];
	p0 =	sne.s32 s2, $0x0  }
0xc9: {  	s3 =	rddreg [dreg:$0x2];
	[bflag:$0x3] =	sbarrier.arrive $0xFFFF;
	s2 =	simm.s32 @!p0 $0x1C09  }
0xca: {  	[timem:s3], [sflag:s2] =	dma.local @!p0 [hbm:s0], s1  }
0xcb: {  	s0 =	simm.s32 @!p0 $0x9  }
0xcc: {  	_ =	swait.ge @!p0 [sflag:s0], s1  }
0xcd: {  	s1 =	ssub.s32 @!p0 $0x0, s1;
	[sflag:s0] =	ssyncset.done @!p0 $0x0  }
0xce: {  	[sflag:s0] =	ssyncadd.s32 @!p0 s1  }
0xcf: {  	[bflag:$0x3] =	sbarrier.arrive $0xFFFF  }
0xd0: {  	_ =	shalt  }

</sc_bundles>
